<compile_context>
chip_gen: v7x
topology: tpu7x:2x2x1
jax: 0.10.2.dev20260603
libtpu: 0.0.44.dev20260713+nightly
codegen_flags: <defaults>
</compile_context>

<pallas_src>
import jax
import jax.numpy as jnp
from jax import lax
from jax.experimental import pallas as pl
from jax.experimental.pallas import tpu as pltpu
from jax.experimental.pallas import tpu_sc as plsc

B, N, C = 16, 16384, 3
NPOINTS = 2048
L = 16
HN = N // 2
STEPS = HN // L
UNROLL = 4
NS = 16


def _fps_body(coord_hbm, sampled_hbm, finit_hbm, out_hbm,
              x_ref, y_ref, z_ref, dist_ref, flag_ref, finit_ref,
              ebuf_ref, pbuf_ref, xch_ref):
    c = lax.axis_index("c")
    s = lax.axis_index("s")
    b = c * 8 + s // 2
    h = s % 2
    ps = s ^ 1
    hoff = h * HN

    base = b * N + hoff
    pltpu.sync_copy(coord_hbm.at[pl.ds((b * 3 + 0) * N, N)], x_ref)
    pltpu.sync_copy(coord_hbm.at[pl.ds((b * 3 + 1) * N, N)], y_ref)
    pltpu.sync_copy(coord_hbm.at[pl.ds((b * 3 + 2) * N, N)], z_ref)
    pltpu.sync_copy(sampled_hbm.at[pl.ds(base, HN)], flag_ref)
    pltpu.sync_copy(finit_hbm, finit_ref)

    lane = lax.iota(jnp.int32, L)
    lane0 = lane == 0
    one16 = jnp.full((L,), 1.0, jnp.float32)
    big = jnp.full((L,), 1e10, jnp.float32)
    i1 = jnp.full((L,), 1, jnp.int32)
    i2 = jnp.full((L,), 2, jnp.int32)

    @plsc.parallel_loop(0, STEPS, step=8)
    def _init(i):
        for u in range(8):
            dist_ref[pl.ds((i + u) * L, L)] = big

    bvec = jnp.full((L,), b, jnp.int32)
    f0 = plsc.load_gather(finit_ref, [bvec])
    mine0 = (f0 >= hoff) & (f0 < hoff + HN)
    plsc.store_scatter(flag_ref, [jnp.clip(f0 - hoff, 0, HN - 1)],
                       one16, mask=lane0 & mine0)

    def outer(t, fvec):
        cx = plsc.load_gather(x_ref, [fvec])
        cy = plsc.load_gather(y_ref, [fvec])
        cz = plsc.load_gather(z_ref, [fvec])

        rmax0 = tuple(jnp.full((L,), -1.0, jnp.float32) for _ in range(UNROLL))
        rstep0 = tuple(jnp.zeros((L,), jnp.int32) for _ in range(UNROLL))

        @plsc.parallel_loop(0, STEPS, step=UNROLL, unroll=2, carry=(rmax0, rstep0))
        def inner(j, carry):
            rmax, rstep = carry
            jbc = jnp.full((L,), j, jnp.int32)
            rmax_n, rstep_n = [], []
            for u in range(UNROLL):
                dsl = pl.ds((j + u) * L, L)
                csl = pl.ds(hoff + (j + u) * L, L)
                dx = x_ref[csl] - cx
                dy = y_ref[csl] - cy
                dz = z_ref[csl] - cz
                d = dx * dx + dy * dy + dz * dz
                dn = jnp.minimum(dist_ref[dsl], d)
                dist_ref[dsl] = dn
                m = dn > rmax[u]
                rmax_n.append(jnp.maximum(dn, rmax[u]))
                rstep_n.append(jnp.where(m, jbc, rstep[u]))
            return tuple(rmax_n), tuple(rstep_n)

        rmaxs, rsteps = inner
        acc_v = rmaxs[0]
        acc_i = rsteps[0] * L + lane
        for u in range(1, UNROLL):
            v = rmaxs[u]
            i = rsteps[u] * L + jnp.full((L,), u * L, jnp.int32) + lane
            take = (v > acc_v) | ((v == acc_v) & (i < acc_i))
            acc_v = jnp.where(take, v, acc_v)
            acc_i = jnp.where(take, i, acc_i)

        gmax = jnp.max(acc_v)
        cand = jnp.where(acc_v == gmax, acc_i, jnp.full((L,), 2 ** 30, jnp.int32))
        gidx = jnp.full((L,), jnp.min(cand), jnp.int32) + hoff
        gv = jnp.full((L,), gmax, jnp.float32)

        e = jnp.where(lane == 1, gv, plsc.bitcast(gidx, jnp.float32))
        par = t % 2 + 4
        ebuf_ref[...] = e
        pltpu.sync_copy(ebuf_ref, xch_ref.at[par, s])
        plsc.subcore_barrier()
        pltpu.sync_copy(xch_ref.at[par, ps], pbuf_ref)
        pval = plsc.load_gather(pbuf_ref, [i1])
        pidx = plsc.bitcast(plsc.load_gather(pbuf_ref, [i2]), jnp.int32)
        win = (gv > pval) | ((gv == pval) & (gidx < pidx))
        wg = jnp.where(win, gidx, pidx)
        plsc.store_scatter(flag_ref, [jnp.clip(wg - hoff, 0, HN - 1)],
                           one16, mask=lane0 & win)
        return wg

    lax.fori_loop(0, NPOINTS - 1, outer, f0)
    pltpu.sync_copy(flag_ref, out_hbm.at[pl.ds(base, HN)])


def kernel(coord, sampled, farthest_init):
    coord_t = jnp.transpose(coord, (0, 2, 1)).reshape(-1)
    finit = farthest_init.astype(jnp.int32)
    mesh = plsc.VectorSubcoreMesh(core_axis_name="c", subcore_axis_name="s")
    k = pl.kernel(
        _fps_body,
        mesh=mesh,
        compiler_params=pltpu.CompilerParams(needs_layout_passes=False),
        out_type=jax.ShapeDtypeStruct((B * N,), jnp.float32),
        scratch_types=[
            pltpu.VMEM((N,), jnp.float32),
            pltpu.VMEM((N,), jnp.float32),
            pltpu.VMEM((N,), jnp.float32),
            pltpu.VMEM((HN,), jnp.float32),
            pltpu.VMEM((HN,), jnp.float32),
            pltpu.VMEM((L,), jnp.int32),
            pltpu.VMEM((L,), jnp.float32),
            pltpu.VMEM((L,), jnp.float32),
            pltpu.VMEM_SHARED((8, NS, L), jnp.float32),
        ],
    )
    return k(coord_t, sampled, finit)

# --- scband reference (transcript-rebuilt; emitter-appended) ---
"""Pipeline reference for scband-farthest-point-sampler-37812892074551 (READ-ONLY COPY).

The authoritative reference and input builder live on the scoring server;
editing this copy changes nothing except your own understanding.
"""

import jax, jax.numpy as jnp
import numpy as np
from jax import lax

NPOINTS = 2048
B, N, C = 16, 16384, 3

def setup_inputs(seed: int = 0) -> dict:
    key = jax.random.key(seed)
    k1, k2 = jax.random.split(key)
    coord = jax.random.normal(k1, (B, N, C), dtype=jnp.float32)
    sampled = jnp.zeros((B * N,), dtype=jnp.float32)
    farthest_init = jax.random.randint(k2, (B,), 0, N).astype(jnp.int64)
    return {"coord": coord, "sampled": sampled, "farthest_init": farthest_init}

def reference(coord, sampled, farthest_init):
    Bs, Np, Cc = coord.shape
    batch_indices = jnp.arange(Bs)
    distance = jnp.ones((Bs, Np), dtype=coord.dtype) * 10000000000.0
    farthest0 = farthest_init.astype(jnp.int32)

    def body(carry, _):
        distance, farthest = carry
        # record current farthest as this iteration's centroid
        centroid = coord[batch_indices, farthest, :].reshape(Bs, 1, 3)
        dist = jnp.sum((coord - centroid) ** 2, -1)
        distance = jnp.where(dist < distance, dist, distance)
        farthest_new = jnp.argmax(distance, axis=-1).astype(jnp.int32)
        return (distance, farthest_new), farthest

    (_, _), centroids_seq = lax.scan(body, (distance, farthest0), None, length=NPOINTS)
    # centroids_seq: [npoints, B] -> [B, npoints]
    centroids = jnp.transpose(centroids_seq, (1, 0))
    # offset each batch row into the flat node index space
    centroids = centroids + (jnp.arange(Bs, dtype=centroids.dtype) * Np)[:, None]
    sampled_out = sampled.at[centroids.reshape(-1)].set(1.0)
    return sampled_out

if __name__ == "__main__":
    import jax
    _d = setup_inputs()
    print(jax.jit(kernel)(*tuple(_d.values())))

</pallas_src>

<mosaic_0001>
#map = affine_map<(d0, d1) -> (0)>
module attributes {stable_mosaic.version = 14 : i64} {
  func.func @_fps_body(%arg0: i32, %arg1: i32, %arg2: memref<786432xf32, #tpu.memory_space<hbm>>, %arg3: memref<262144xf32, #tpu.memory_space<hbm>>, %arg4: memref<16xi32, #tpu.memory_space<hbm>>, %arg5: memref<262144xf32, #tpu.memory_space<hbm>>, %arg6: memref<16384xf32, #tpu.memory_space<vmem>>, %arg7: memref<16384xf32, #tpu.memory_space<vmem>>, %arg8: memref<16384xf32, #tpu.memory_space<vmem>>, %arg9: memref<8192xf32, #tpu.memory_space<vmem>>, %arg10: memref<8192xf32, #tpu.memory_space<vmem>>, %arg11: memref<16xi32, #tpu.memory_space<vmem>>, %arg12: memref<16xf32, #tpu.memory_space<vmem>>, %arg13: memref<16xf32, #tpu.memory_space<vmem>>, %arg14: memref<8x16x16xf32, #tpu.memory_space<vmem_shared>>) attributes {dimension_semantics = [#tpu.dimension_semantics<core_parallel>, #tpu.dimension_semantics<subcore_parallel>], iteration_bounds = array<i64: 2, 16>, scalar_prefetch = 0 : i64, scratch_operands = 9 : i64, tpu.core_type = #tpu.core_type<sc_vector_subcore>, window_params = [{transform_indices = #map}, {transform_indices = #map}, {transform_indices = #map}, {transform_indices = #map}]} {
    %mul3A = arith.constant 8 : i32
    %mul3A_0 = arith.muli %arg0, %mul3A : i32
    %jit3A = arith.constant 2 : i32
    %div3A = arith.divsi %arg1, %jit3A : i32
    %sign3A = arith.constant 0 : i32
    %sign3A_1 = arith.cmpi sgt, %arg1, %sign3A : i32
    %sign3A_2 = arith.extui %sign3A_1 : i1 to i32
    %sign3A_3 = arith.constant 0 : i32
    %sign3A_4 = arith.cmpi slt, %arg1, %sign3A_3 : i32
    %sign3A_5 = arith.extui %sign3A_4 : i1 to i32
    %sign3A_6 = arith.subi %sign3A_2, %sign3A_5 : i32
    %sign3A_7 = arith.constant 0 : i32
    %sign3A_8 = arith.cmpi sgt, %jit3A, %sign3A_7 : i32
    %sign3A_9 = arith.extui %sign3A_8 : i1 to i32
    %sign3A_10 = arith.constant 0 : i32
    %sign3A_11 = arith.cmpi slt, %jit3A, %sign3A_10 : i32
    %sign3A_12 = arith.extui %sign3A_11 : i1 to i32
    %sign3A_13 = arith.subi %sign3A_9, %sign3A_12 : i32
    %ne3A = arith.cmpi ne, %sign3A_6, %sign3A_13 : i32
    %rem3A = arith.remsi %arg1, %jit3A : i32
    %ne3A_14 = arith.constant 0 : i32
    %ne3A_15 = arith.cmpi ne, %rem3A, %ne3A_14 : i32
    %and3A = arith.andi %ne3A, %ne3A_15 : i1
    %sub3A = arith.constant 1 : i32
    %sub3A_16 = arith.subi %div3A, %sub3A : i32
    %select_n3A = arith.select %and3A, %sub3A_16, %div3A : i32
    %add3A = arith.addi %mul3A_0, %select_n3A : i32
    %jit3A_17 = arith.constant 2 : i32
    %eq3A = arith.constant 0 : i32
    %eq3A_18 = arith.cmpi eq, %jit3A_17, %eq3A : i32
    %jit3A_19 = arith.constant 1 : i32
    %select_n3A_20 = arith.select %eq3A_18, %jit3A_19, %jit3A_17 : i32
    %rem3A_21 = arith.remsi %arg1, %select_n3A_20 : i32
    %ne3A_22 = arith.constant 0 : i32
    %ne3A_23 = arith.cmpi ne, %rem3A_21, %ne3A_22 : i32
    %lt3A = arith.constant 0 : i32
    %lt3A_24 = arith.cmpi slt, %rem3A_21, %lt3A : i32
    %lt3A_25 = arith.constant 0 : i32
    %lt3A_26 = arith.cmpi slt, %select_n3A_20, %lt3A_25 : i32
    %ne3A_27 = arith.xori %lt3A_24, %lt3A_26 : i1
    %and3A_28 = arith.andi %ne3A_27, %ne3A_23 : i1
    %add3A_29 = arith.addi %rem3A_21, %select_n3A_20 : i32
    %select_n3A_30 = arith.select %and3A_28, %add3A_29, %rem3A_21 : i32
    %xor3A = arith.constant 1 : i32
    %xor3A_31 = arith.xori %arg1, %xor3A : i32
    %mul3A_32 = arith.constant 8192 : i32
    %mul3A_33 = arith.muli %select_n3A_30, %mul3A_32 : i32
    %mul3A_34 = arith.constant 16384 : i32
    %mul3A_35 = arith.muli %add3A, %mul3A_34 : i32
    %add3A_36 = arith.addi %mul3A_35, %mul3A_33 : i32
    %mul3A_37 = arith.constant 3 : i32
    %mul3A_38 = arith.muli %add3A, %mul3A_37 : i32
    %add3A_39 = arith.constant 0 : i32
    %add3A_40 = arith.addi %mul3A_38, %add3A_39 : i32
    %mul3A_41 = arith.constant 16384 : i32
    %mul3A_42 = arith.muli %add3A_40, %mul3A_41 : i32
    "tpu.region"() ({
      %run_scoped3A = tpu.sem_alloc : memref<!tpu.dma_semaphore, #tpu.memory_space<semaphore_mem>>
      %dma_start3A = tpu.memref_slice %arg2[%mul3A_42] : memref<786432xf32, #tpu.memory_space<hbm>> -> memref<16384xf32, #tpu.memory_space<hbm>>
      %dma_start3A_86 = tpu.memref_slice %arg2[%mul3A_42] : memref<786432xf32, #tpu.memory_space<hbm>> -> memref<16384xf32, #tpu.memory_space<hbm>>
      tpu.enqueue_dma source(%dma_start3A_86 : memref<16384xf32, #tpu.memory_space<hbm>>) target(%arg6 : memref<16384xf32, #tpu.memory_space<vmem>>) target_semaphore(%run_scoped3A : memref<!tpu.dma_semaphore, #tpu.memory_space<semaphore_mem>>)
      %dma_wait3A = tpu.memref_slice %arg2[%mul3A_42] : memref<786432xf32, #tpu.memory_space<hbm>> -> memref<16384xf32, #tpu.memory_space<hbm>>
      %dma_wait3A_87 = tpu.memref_slice %arg2[%mul3A_42] : memref<786432xf32, #tpu.memory_space<hbm>> -> memref<16384xf32, #tpu.memory_space<hbm>>
      tpu.wait_dma2 semaphore(%run_scoped3A : memref<!tpu.dma_semaphore, #tpu.memory_space<semaphore_mem>>) src(%dma_wait3A_87 : memref<16384xf32, #tpu.memory_space<hbm>>) dst(%arg6 : memref<16384xf32, #tpu.memory_space<vmem>>)
      tpu.yield
    }) : () -> ()
    %mul3A_43 = arith.constant 3 : i32
    %mul3A_44 = arith.muli %add3A, %mul3A_43 : i32
    %add3A_45 = arith.constant 1 : i32
    %add3A_46 = arith.addi %mul3A_44, %add3A_45 : i32
    %mul3A_47 = arith.constant 16384 : i32
    %mul3A_48 = arith.muli %add3A_46, %mul3A_47 : i32
    "tpu.region"() ({
      %run_scoped3A = tpu.sem_alloc : memref<!tpu.dma_semaphore, #tpu.memory_space<semaphore_mem>>
      %dma_start3A = tpu.memref_slice %arg2[%mul3A_48] : memref<786432xf32, #tpu.memory_space<hbm>> -> memref<16384xf32, #tpu.memory_space<hbm>>
      %dma_start3A_86 = tpu.memref_slice %arg2[%mul3A_48] : memref<786432xf32, #tpu.memory_space<hbm>> -> memref<16384xf32, #tpu.memory_space<hbm>>
      tpu.enqueue_dma source(%dma_start3A_86 : memref<16384xf32, #tpu.memory_space<hbm>>) target(%arg7 : memref<16384xf32, #tpu.memory_space<vmem>>) target_semaphore(%run_scoped3A : memref<!tpu.dma_semaphore, #tpu.memory_space<semaphore_mem>>)
      %dma_wait3A = tpu.memref_slice %arg2[%mul3A_48] : memref<786432xf32, #tpu.memory_space<hbm>> -> memref<16384xf32, #tpu.memory_space<hbm>>
      %dma_wait3A_87 = tpu.memref_slice %arg2[%mul3A_48] : memref<786432xf32, #tpu.memory_space<hbm>> -> memref<16384xf32, #tpu.memory_space<hbm>>
      tpu.wait_dma2 semaphore(%run_scoped3A : memref<!tpu.dma_semaphore, #tpu.memory_space<semaphore_mem>>) src(%dma_wait3A_87 : memref<16384xf32, #tpu.memory_space<hbm>>) dst(%arg7 : memref<16384xf32, #tpu.memory_space<vmem>>)
      tpu.yield
    }) : () -> ()
    %mul3A_49 = arith.constant 3 : i32
    %mul3A_50 = arith.muli %add3A, %mul3A_49 : i32
    %add3A_51 = arith.constant 2 : i32
    %add3A_52 = arith.addi %mul3A_50, %add3A_51 : i32
    %mul3A_53 = arith.constant 16384 : i32
    %mul3A_54 = arith.muli %add3A_52, %mul3A_53 : i32
    "tpu.region"() ({
      %run_scoped3A = tpu.sem_alloc : memref<!tpu.dma_semaphore, #tpu.memory_space<semaphore_mem>>
      %dma_start3A = tpu.memref_slice %arg2[%mul3A_54] : memref<786432xf32, #tpu.memory_space<hbm>> -> memref<16384xf32, #tpu.memory_space<hbm>>
      %dma_start3A_86 = tpu.memref_slice %arg2[%mul3A_54] : memref<786432xf32, #tpu.memory_space<hbm>> -> memref<16384xf32, #tpu.memory_space<hbm>>
      tpu.enqueue_dma source(%dma_start3A_86 : memref<16384xf32, #tpu.memory_space<hbm>>) target(%arg8 : memref<16384xf32, #tpu.memory_space<vmem>>) target_semaphore(%run_scoped3A : memref<!tpu.dma_semaphore, #tpu.memory_space<semaphore_mem>>)
      %dma_wait3A = tpu.memref_slice %arg2[%mul3A_54] : memref<786432xf32, #tpu.memory_space<hbm>> -> memref<16384xf32, #tpu.memory_space<hbm>>
      %dma_wait3A_87 = tpu.memref_slice %arg2[%mul3A_54] : memref<786432xf32, #tpu.memory_space<hbm>> -> memref<16384xf32, #tpu.memory_space<hbm>>
      tpu.wait_dma2 semaphore(%run_scoped3A : memref<!tpu.dma_semaphore, #tpu.memory_space<semaphore_mem>>) src(%dma_wait3A_87 : memref<16384xf32, #tpu.memory_space<hbm>>) dst(%arg8 : memref<16384xf32, #tpu.memory_space<vmem>>)
      tpu.yield
    }) : () -> ()
    "tpu.region"() ({
      %run_scoped3A = tpu.sem_alloc : memref<!tpu.dma_semaphore, #tpu.memory_space<semaphore_mem>>
      %dma_start3A = tpu.memref_slice %arg3[%add3A_36] : memref<262144xf32, #tpu.memory_space<hbm>> -> memref<8192xf32, #tpu.memory_space<hbm>>
      %dma_start3A_86 = tpu.memref_slice %arg3[%add3A_36] : memref<262144xf32, #tpu.memory_space<hbm>> -> memref<8192xf32, #tpu.memory_space<hbm>>
      tpu.enqueue_dma source(%dma_start3A_86 : memref<8192xf32, #tpu.memory_space<hbm>>) target(%arg10 : memref<8192xf32, #tpu.memory_space<vmem>>) target_semaphore(%run_scoped3A : memref<!tpu.dma_semaphore, #tpu.memory_space<semaphore_mem>>)
      %dma_wait3A = tpu.memref_slice %arg3[%add3A_36] : memref<262144xf32, #tpu.memory_space<hbm>> -> memref<8192xf32, #tpu.memory_space<hbm>>
      %dma_wait3A_87 = tpu.memref_slice %arg3[%add3A_36] : memref<262144xf32, #tpu.memory_space<hbm>> -> memref<8192xf32, #tpu.memory_space<hbm>>
      tpu.wait_dma2 semaphore(%run_scoped3A : memref<!tpu.dma_semaphore, #tpu.memory_space<semaphore_mem>>) src(%dma_wait3A_87 : memref<8192xf32, #tpu.memory_space<hbm>>) dst(%arg10 : memref<8192xf32, #tpu.memory_space<vmem>>)
      tpu.yield
    }) : () -> ()
    "tpu.region"() ({
      %run_scoped3A = tpu.sem_alloc : memref<!tpu.dma_semaphore, #tpu.memory_space<semaphore_mem>>
      tpu.enqueue_dma source(%arg4 : memref<16xi32, #tpu.memory_space<hbm>>) target(%arg11 : memref<16xi32, #tpu.memory_space<vmem>>) target_semaphore(%run_scoped3A : memref<!tpu.dma_semaphore, #tpu.memory_space<semaphore_mem>>)
      tpu.wait_dma2 semaphore(%run_scoped3A : memref<!tpu.dma_semaphore, #tpu.memory_space<semaphore_mem>>) src(%arg4 : memref<16xi32, #tpu.memory_space<hbm>>) dst(%arg11 : memref<16xi32, #tpu.memory_space<vmem>>)
      tpu.yield
    }) : () -> ()
    %iota3A = tpu.iota {dimensions = array<i32: 0>} : vector<16xi32>
    %eq3A_55 = arith.constant 0 : i32
    %eq3A_56 = vector.broadcast %eq3A_55 : i32 to vector<16xi32>
    %eq3A_57 = arith.cmpi eq, %iota3A, %eq3A_56 : vector<16xi32>
    %broadcast_in_dim3A = arith.constant 1.000000e+00 : f32
    %broadcast_in_dim3A_58 = vector.broadcast %broadcast_in_dim3A : f32 to vector<16xf32>
    %broadcast_in_dim3A_59 = arith.constant 1.000000e+10 : f32
    %broadcast_in_dim3A_60 = vector.broadcast %broadcast_in_dim3A_59 : f32 to vector<16xf32>
    %broadcast_in_dim3A_61 = arith.constant 1 : i32
    %broadcast_in_dim3A_62 = vector.broadcast %broadcast_in_dim3A_61 : i32 to vector<16xi32>
    %broadcast_in_dim3A_63 = arith.constant 2 : i32
    %broadcast_in_dim3A_64 = vector.broadcast %broadcast_in_dim3A_63 : i32 to vector<16xi32>
    %parallel_loop3A = arith.constant 0 : i32
    %parallel_loop3A_65 = arith.constant 512 : i32
    %parallel_loop3A_66 = arith.constant 8 : i32
    scf.for %parallel_loop3A_86 = %parallel_loop3A to %parallel_loop3A_65 step %parallel_loop3A_66  : i32 {
      %parallel_loop3A_87 = arith.constant 0 : i32
      %parallel_loop3A_88 = arith.addi %parallel_loop3A_86, %parallel_loop3A_87 : i32
      %parallel_loop3A_89 = arith.constant 16 : i32
      %parallel_loop3A_90 = arith.muli %parallel_loop3A_88, %parallel_loop3A_89 : i32
      %parallel_loop3A_91 = arith.index_cast %parallel_loop3A_90 : i32 to index
      %parallel_loop3A_92 = tpu.vector_load %arg9[%parallel_loop3A_91] {strides = array<i32>} : memref<8192xf32, #tpu.memory_space<vmem>>, vector<16xf32>,
      tpu.vector_store %arg9[%parallel_loop3A_91], %broadcast_in_dim3A_60 {strides = array<i32>} : memref<8192xf32, #tpu.memory_space<vmem>>, vector<16xf32>,
      %parallel_loop3A_93 = arith.constant 1 : i32
      %parallel_loop3A_94 = arith.addi %parallel_loop3A_86, %parallel_loop3A_93 : i32
      %parallel_loop3A_95 = arith.constant 16 : i32
      %parallel_loop3A_96 = arith.muli %parallel_loop3A_94, %parallel_loop3A_95 : i32
      %parallel_loop3A_97 = arith.index_cast %parallel_loop3A_96 : i32 to index
      %parallel_loop3A_98 = tpu.vector_load %arg9[%parallel_loop3A_97] {strides = array<i32>} : memref<8192xf32, #tpu.memory_space<vmem>>, vector<16xf32>,
      tpu.vector_store %arg9[%parallel_loop3A_97], %broadcast_in_dim3A_60 {strides = array<i32>} : memref<8192xf32, #tpu.memory_space<vmem>>, vector<16xf32>,
      %parallel_loop3A_99 = arith.constant 2 : i32
      %parallel_loop3A_100 = arith.addi %parallel_loop3A_86, %parallel_loop3A_99 : i32
      %parallel_loop3A_101 = arith.constant 16 : i32
      %parallel_loop3A_102 = arith.muli %parallel_loop3A_100, %parallel_loop3A_101 : i32
      %parallel_loop3A_103 = arith.index_cast %parallel_loop3A_102 : i32 to index
      %parallel_loop3A_104 = tpu.vector_load %arg9[%parallel_loop3A_103] {strides = array<i32>} : memref<8192xf32, #tpu.memory_space<vmem>>, vector<16xf32>,
      tpu.vector_store %arg9[%parallel_loop3A_103], %broadcast_in_dim3A_60 {strides = array<i32>} : memref<8192xf32, #tpu.memory_space<vmem>>, vector<16xf32>,
      %parallel_loop3A_105 = arith.constant 3 : i32
      %parallel_loop3A_106 = arith.addi %parallel_loop3A_86, %parallel_loop3A_105 : i32
      %parallel_loop3A_107 = arith.constant 16 : i32
      %parallel_loop3A_108 = arith.muli %parallel_loop3A_106, %parallel_loop3A_107 : i32
      %parallel_loop3A_109 = arith.index_cast %parallel_loop3A_108 : i32 to index
      %parallel_loop3A_110 = tpu.vector_load %arg9[%parallel_loop3A_109] {strides = array<i32>} : memref<8192xf32, #tpu.memory_space<vmem>>, vector<16xf32>,
      tpu.vector_store %arg9[%parallel_loop3A_109], %broadcast_in_dim3A_60 {strides = array<i32>} : memref<8192xf32, #tpu.memory_space<vmem>>, vector<16xf32>,
      %parallel_loop3A_111 = arith.constant 4 : i32
      %parallel_loop3A_112 = arith.addi %parallel_loop3A_86, %parallel_loop3A_111 : i32
      %parallel_loop3A_113 = arith.constant 16 : i32
      %parallel_loop3A_114 = arith.muli %parallel_loop3A_112, %parallel_loop3A_113 : i32
      %parallel_loop3A_115 = arith.index_cast %parallel_loop3A_114 : i32 to index
      %parallel_loop3A_116 = tpu.vector_load %arg9[%parallel_loop3A_115] {strides = array<i32>} : memref<8192xf32, #tpu.memory_space<vmem>>, vector<16xf32>,
      tpu.vector_store %arg9[%parallel_loop3A_115], %broadcast_in_dim3A_60 {strides = array<i32>} : memref<8192xf32, #tpu.memory_space<vmem>>, vector<16xf32>,
      %parallel_loop3A_117 = arith.constant 5 : i32
      %parallel_loop3A_118 = arith.addi %parallel_loop3A_86, %parallel_loop3A_117 : i32
      %parallel_loop3A_119 = arith.constant 16 : i32
      %parallel_loop3A_120 = arith.muli %parallel_loop3A_118, %parallel_loop3A_119 : i32
      %parallel_loop3A_121 = arith.index_cast %parallel_loop3A_120 : i32 to index
      %parallel_loop3A_122 = tpu.vector_load %arg9[%parallel_loop3A_121] {strides = array<i32>} : memref<8192xf32, #tpu.memory_space<vmem>>, vector<16xf32>,
      tpu.vector_store %arg9[%parallel_loop3A_121], %broadcast_in_dim3A_60 {strides = array<i32>} : memref<8192xf32, #tpu.memory_space<vmem>>, vector<16xf32>,
      %parallel_loop3A_123 = arith.constant 6 : i32
      %parallel_loop3A_124 = arith.addi %parallel_loop3A_86, %parallel_loop3A_123 : i32
      %parallel_loop3A_125 = arith.constant 16 : i32
      %parallel_loop3A_126 = arith.muli %parallel_loop3A_124, %parallel_loop3A_125 : i32
      %parallel_loop3A_127 = arith.index_cast %parallel_loop3A_126 : i32 to index
      %parallel_loop3A_128 = tpu.vector_load %arg9[%parallel_loop3A_127] {strides = array<i32>} : memref<8192xf32, #tpu.memory_space<vmem>>, vector<16xf32>,
      tpu.vector_store %arg9[%parallel_loop3A_127], %broadcast_in_dim3A_60 {strides = array<i32>} : memref<8192xf32, #tpu.memory_space<vmem>>, vector<16xf32>,
      %parallel_loop3A_129 = arith.constant 7 : i32
      %parallel_loop3A_130 = arith.addi %parallel_loop3A_86, %parallel_loop3A_129 : i32
      %parallel_loop3A_131 = arith.constant 16 : i32
      %parallel_loop3A_132 = arith.muli %parallel_loop3A_130, %parallel_loop3A_131 : i32
      %parallel_loop3A_133 = arith.index_cast %parallel_loop3A_132 : i32 to index
      %parallel_loop3A_134 = tpu.vector_load %arg9[%parallel_loop3A_133] {strides = array<i32>} : memref<8192xf32, #tpu.memory_space<vmem>>, vector<16xf32>,
      tpu.vector_store %arg9[%parallel_loop3A_133], %broadcast_in_dim3A_60 {strides = array<i32>} : memref<8192xf32, #tpu.memory_space<vmem>>, vector<16xf32>,
    } {sc.loop_unroll_factor = 1 : i64, sc.parallel_access}
    %broadcast_in_dim3A_67 = vector.broadcast %add3A : i32 to vector<16xi32>
    %gather3A = tpu.vector_load_idx %arg11[%broadcast_in_dim3A_67] : memref<16xi32, #tpu.memory_space<vmem>>[vector<16xi32>], vector<16xi32>,
    %ge3A = vector.broadcast %mul3A_33 : i32 to vector<16xi32>
    %ge3A_68 = arith.cmpi sge, %gather3A, %ge3A : vector<16xi32>
    %add3A_69 = arith.constant 8192 : i32
    %add3A_70 = arith.addi %mul3A_33, %add3A_69 : i32
    %lt3A_71 = vector.broadcast %add3A_70 : i32 to vector<16xi32>
    %lt3A_72 = arith.cmpi slt, %gather3A, %lt3A_71 : vector<16xi32>
    %and3A_73 = arith.andi %ge3A_68, %lt3A_72 : vector<16xi1>
    %sub3A_74 = vector.broadcast %mul3A_33 : i32 to vector<16xi32>
    %sub3A_75 = arith.subi %gather3A, %sub3A_74 : vector<16xi32>
    %jit3A_76 = arith.constant 0 : i32
    %jit3A_77 = arith.constant 8191 : i32
    %max3A = vector.broadcast %jit3A_76 : i32 to vector<16xi32>
    %max3A_78 = arith.maxsi %max3A, %sub3A_75 : vector<16xi32>
    %min3A = vector.broadcast %jit3A_77 : i32 to vector<16xi32>
    %min3A_79 = arith.minsi %min3A, %max3A_78 : vector<16xi32>
    %and3A_80 = arith.andi %eq3A_57, %and3A_73 : vector<16xi1>
    tpu.vector_store_idx %arg10[%min3A_79], %broadcast_in_dim3A_58 masked %and3A_80 : memref<8192xf32, #tpu.memory_space<vmem>>[vector<16xi32>], vector<16xf32>, vector<16xi1>
    %scan3A = arith.constant 0 : i32
    %scan3A_81 = arith.constant 2047 : i32
    %scan3A_82 = arith.addi %scan3A, %scan3A_81 : i32
    %scan3A_83 = arith.constant 1 : i32
    %scan3A_84 = scf.for %scan3A_86 = %scan3A to %scan3A_82 step %scan3A_83 iter_args(%scan3A_87 = %gather3A) -> (vector<16xi32>)  : i32 {
      %gather3A_88 = tpu.vector_load_idx %arg6[%scan3A_87] : memref<16384xf32, #tpu.memory_space<vmem>>[vector<16xi32>], vector<16xf32>,
      %gather3A_89 = tpu.vector_load_idx %arg7[%scan3A_87] : memref<16384xf32, #tpu.memory_space<vmem>>[vector<16xi32>], vector<16xf32>,
      %gather3A_90 = tpu.vector_load_idx %arg8[%scan3A_87] : memref<16384xf32, #tpu.memory_space<vmem>>[vector<16xi32>], vector<16xf32>,
      %broadcast_in_dim3A_91 = arith.constant -1.000000e+00 : f32
      %broadcast_in_dim3A_92 = vector.broadcast %broadcast_in_dim3A_91 : f32 to vector<16xf32>
      %broadcast_in_dim3A_93 = arith.constant -1.000000e+00 : f32
      %broadcast_in_dim3A_94 = vector.broadcast %broadcast_in_dim3A_93 : f32 to vector<16xf32>
      %broadcast_in_dim3A_95 = arith.constant -1.000000e+00 : f32
      %broadcast_in_dim3A_96 = vector.broadcast %broadcast_in_dim3A_95 : f32 to vector<16xf32>
      %broadcast_in_dim3A_97 = arith.constant -1.000000e+00 : f32
      %broadcast_in_dim3A_98 = vector.broadcast %broadcast_in_dim3A_97 : f32 to vector<16xf32>
      %broadcast_in_dim3A_99 = arith.constant 0 : i32
      %broadcast_in_dim3A_100 = vector.broadcast %broadcast_in_dim3A_99 : i32 to vector<16xi32>
      %broadcast_in_dim3A_101 = arith.constant 0 : i32
      %broadcast_in_dim3A_102 = vector.broadcast %broadcast_in_dim3A_101 : i32 to vector<16xi32>
      %broadcast_in_dim3A_103 = arith.constant 0 : i32
      %broadcast_in_dim3A_104 = vector.broadcast %broadcast_in_dim3A_103 : i32 to vector<16xi32>
      %broadcast_in_dim3A_105 = arith.constant 0 : i32
      %broadcast_in_dim3A_106 = vector.broadcast %broadcast_in_dim3A_105 : i32 to vector<16xi32>
      %parallel_loop3A_107 = arith.constant 0 : i32
      %parallel_loop3A_108 = arith.constant 512 : i32
      %parallel_loop3A_109 = arith.constant 4 : i32
      %parallel_loop3A_110:8 = scf.for %parallel_loop3A_215 = %parallel_loop3A_107 to %parallel_loop3A_108 step %parallel_loop3A_109 iter_args(%parallel_loop3A_216 = %broadcast_in_dim3A_92, %parallel_loop3A_217 = %broadcast_in_dim3A_94, %parallel_loop3A_218 = %broadcast_in_dim3A_96, %parallel_loop3A_219 = %broadcast_in_dim3A_98, %parallel_loop3A_220 = %broadcast_in_dim3A_100, %parallel_loop3A_221 = %broadcast_in_dim3A_102, %parallel_loop3A_222 = %broadcast_in_dim3A_104, %parallel_loop3A_223 = %broadcast_in_dim3A_106) -> (vector<16xf32>, vector<16xf32>, vector<16xf32>, vector<16xf32>, vector<16xi32>, vector<16xi32>, vector<16xi32>, vector<16xi32>)  : i32 {
        %parallel_loop3A_224 = vector.broadcast %parallel_loop3A_215 : i32 to vector<16xi32>
        %parallel_loop3A_225 = arith.constant 0 : i32
        %parallel_loop3A_226 = arith.addi %parallel_loop3A_215, %parallel_loop3A_225 : i32
        %parallel_loop3A_227 = arith.constant 16 : i32
        %parallel_loop3A_228 = arith.muli %parallel_loop3A_226, %parallel_loop3A_227 : i32
        %parallel_loop3A_229 = arith.constant 0 : i32
        %parallel_loop3A_230 = arith.addi %parallel_loop3A_215, %parallel_loop3A_229 : i32
        %parallel_loop3A_231 = arith.constant 16 : i32
        %parallel_loop3A_232 = arith.muli %parallel_loop3A_230, %parallel_loop3A_231 : i32
        %parallel_loop3A_233 = arith.addi %mul3A_33, %parallel_loop3A_232 : i32
        %parallel_loop3A_234 = arith.index_cast %parallel_loop3A_233 : i32 to index
        %parallel_loop3A_235 = tpu.vector_load %arg6[%parallel_loop3A_234] {strides = array<i32>} : memref<16384xf32, #tpu.memory_space<vmem>>, vector<16xf32>,
        %parallel_loop3A_236 = arith.subf %parallel_loop3A_235, %gather3A_88 : vector<16xf32>
        %parallel_loop3A_237 = arith.index_cast %parallel_loop3A_233 : i32 to index
        %parallel_loop3A_238 = tpu.vector_load %arg7[%parallel_loop3A_237] {strides = array<i32>} : memref<16384xf32, #tpu.memory_space<vmem>>, vector<16xf32>,
        %parallel_loop3A_239 = arith.subf %parallel_loop3A_238, %gather3A_89 : vector<16xf32>
        %parallel_loop3A_240 = arith.index_cast %parallel_loop3A_233 : i32 to index
        %parallel_loop3A_241 = tpu.vector_load %arg8[%parallel_loop3A_240] {strides = array<i32>} : memref<16384xf32, #tpu.memory_space<vmem>>, vector<16xf32>,
        %parallel_loop3A_242 = arith.subf %parallel_loop3A_241, %gather3A_90 : vector<16xf32>
        %parallel_loop3A_243 = arith.mulf %parallel_loop3A_236, %parallel_loop3A_236 : vector<16xf32>
        %parallel_loop3A_244 = arith.mulf %parallel_loop3A_239, %parallel_loop3A_239 : vector<16xf32>
        %parallel_loop3A_245 = arith.addf %parallel_loop3A_243, %parallel_loop3A_244 : vector<16xf32>
        %parallel_loop3A_246 = arith.mulf %parallel_loop3A_242, %parallel_loop3A_242 : vector<16xf32>
        %parallel_loop3A_247 = arith.addf %parallel_loop3A_245, %parallel_loop3A_246 : vector<16xf32>
        %parallel_loop3A_248 = arith.index_cast %parallel_loop3A_228 : i32 to index
        %parallel_loop3A_249 = tpu.vector_load %arg9[%parallel_loop3A_248] {strides = array<i32>} : memref<8192xf32, #tpu.memory_space<vmem>>, vector<16xf32>,
        %parallel_loop3A_250 = arith.minimumf %parallel_loop3A_249, %parallel_loop3A_247 : vector<16xf32>
        %parallel_loop3A_251 = arith.index_cast %parallel_loop3A_228 : i32 to index
        %parallel_loop3A_252 = tpu.vector_load %arg9[%parallel_loop3A_251] {strides = array<i32>} : memref<8192xf32, #tpu.memory_space<vmem>>, vector<16xf32>,
        tpu.vector_store %arg9[%parallel_loop3A_251], %parallel_loop3A_250 {strides = array<i32>} : memref<8192xf32, #tpu.memory_space<vmem>>, vector<16xf32>,
        %parallel_loop3A_253 = arith.cmpf ogt, %parallel_loop3A_250, %parallel_loop3A_216 : vector<16xf32>
        %parallel_loop3A_254 = arith.maximumf %parallel_loop3A_250, %parallel_loop3A_216 : vector<16xf32>
        %parallel_loop3A_255 = arith.select %parallel_loop3A_253, %parallel_loop3A_224, %parallel_loop3A_220 : vector<16xi1>, vector<16xi32>
        %parallel_loop3A_256 = arith.constant 1 : i32
        %parallel_loop3A_257 = arith.addi %parallel_loop3A_215, %parallel_loop3A_256 : i32
        %parallel_loop3A_258 = arith.constant 16 : i32
        %parallel_loop3A_259 = arith.muli %parallel_loop3A_257, %parallel_loop3A_258 : i32
        %parallel_loop3A_260 = arith.constant 1 : i32
        %parallel_loop3A_261 = arith.addi %parallel_loop3A_215, %parallel_loop3A_260 : i32
        %parallel_loop3A_262 = arith.constant 16 : i32
        %parallel_loop3A_263 = arith.muli %parallel_loop3A_261, %parallel_loop3A_262 : i32
        %parallel_loop3A_264 = arith.addi %mul3A_33, %parallel_loop3A_263 : i32
        %parallel_loop3A_265 = arith.index_cast %parallel_loop3A_264 : i32 to index
        %parallel_loop3A_266 = tpu.vector_load %arg6[%parallel_loop3A_265] {strides = array<i32>} : memref<16384xf32, #tpu.memory_space<vmem>>, vector<16xf32>,
        %parallel_loop3A_267 = arith.subf %parallel_loop3A_266, %gather3A_88 : vector<16xf32>
        %parallel_loop3A_268 = arith.index_cast %parallel_loop3A_264 : i32 to index
        %parallel_loop3A_269 = tpu.vector_load %arg7[%parallel_loop3A_268] {strides = array<i32>} : memref<16384xf32, #tpu.memory_space<vmem>>, vector<16xf32>,
        %parallel_loop3A_270 = arith.subf %parallel_loop3A_269, %gather3A_89 : vector<16xf32>
        %parallel_loop3A_271 = arith.index_cast %parallel_loop3A_264 : i32 to index
        %parallel_loop3A_272 = tpu.vector_load %arg8[%parallel_loop3A_271] {strides = array<i32>} : memref<16384xf32, #tpu.memory_space<vmem>>, vector<16xf32>,
        %parallel_loop3A_273 = arith.subf %parallel_loop3A_272, %gather3A_90 : vector<16xf32>
        %parallel_loop3A_274 = arith.mulf %parallel_loop3A_267, %parallel_loop3A_267 : vector<16xf32>
        %parallel_loop3A_275 = arith.mulf %parallel_loop3A_270, %parallel_loop3A_270 : vector<16xf32>
        %parallel_loop3A_276 = arith.addf %parallel_loop3A_274, %parallel_loop3A_275 : vector<16xf32>
        %parallel_loop3A_277 = arith.mulf %parallel_loop3A_273, %parallel_loop3A_273 : vector<16xf32>
        %parallel_loop3A_278 = arith.addf %parallel_loop3A_276, %parallel_loop3A_277 : vector<16xf32>
        %parallel_loop3A_279 = arith.index_cast %parallel_loop3A_259 : i32 to index
        %parallel_loop3A_280 = tpu.vector_load %arg9[%parallel_loop3A_279] {strides = array<i32>} : memref<8192xf32, #tpu.memory_space<vmem>>, vector<16xf32>,
        %parallel_loop3A_281 = arith.minimumf %parallel_loop3A_280, %parallel_loop3A_278 : vector<16xf32>
        %parallel_loop3A_282 = arith.index_cast %parallel_loop3A_259 : i32 to index
        %parallel_loop3A_283 = tpu.vector_load %arg9[%parallel_loop3A_282] {strides = array<i32>} : memref<8192xf32, #tpu.memory_space<vmem>>, vector<16xf32>,
        tpu.vector_store %arg9[%parallel_loop3A_282], %parallel_loop3A_281 {strides = array<i32>} : memref<8192xf32, #tpu.memory_space<vmem>>, vector<16xf32>,
        %parallel_loop3A_284 = arith.cmpf ogt, %parallel_loop3A_281, %parallel_loop3A_217 : vector<16xf32>
        %parallel_loop3A_285 = arith.maximumf %parallel_loop3A_281, %parallel_loop3A_217 : vector<16xf32>
        %parallel_loop3A_286 = arith.select %parallel_loop3A_284, %parallel_loop3A_224, %parallel_loop3A_221 : vector<16xi1>, vector<16xi32>
        %parallel_loop3A_287 = arith.constant 2 : i32
        %parallel_loop3A_288 = arith.addi %parallel_loop3A_215, %parallel_loop3A_287 : i32
        %parallel_loop3A_289 = arith.constant 16 : i32
        %parallel_loop3A_290 = arith.muli %parallel_loop3A_288, %parallel_loop3A_289 : i32
        %parallel_loop3A_291 = arith.constant 2 : i32
        %parallel_loop3A_292 = arith.addi %parallel_loop3A_215, %parallel_loop3A_291 : i32
        %parallel_loop3A_293 = arith.constant 16 : i32
        %parallel_loop3A_294 = arith.muli %parallel_loop3A_292, %parallel_loop3A_293 : i32
        %parallel_loop3A_295 = arith.addi %mul3A_33, %parallel_loop3A_294 : i32
        %parallel_loop3A_296 = arith.index_cast %parallel_loop3A_295 : i32 to index
        %parallel_loop3A_297 = tpu.vector_load %arg6[%parallel_loop3A_296] {strides = array<i32>} : memref<16384xf32, #tpu.memory_space<vmem>>, vector<16xf32>,
        %parallel_loop3A_298 = arith.subf %parallel_loop3A_297, %gather3A_88 : vector<16xf32>
        %parallel_loop3A_299 = arith.index_cast %parallel_loop3A_295 : i32 to index
        %parallel_loop3A_300 = tpu.vector_load %arg7[%parallel_loop3A_299] {strides = array<i32>} : memref<16384xf32, #tpu.memory_space<vmem>>, vector<16xf32>,
        %parallel_loop3A_301 = arith.subf %parallel_loop3A_300, %gather3A_89 : vector<16xf32>
        %parallel_loop3A_302 = arith.index_cast %parallel_loop3A_295 : i32 to index
        %parallel_loop3A_303 = tpu.vector_load %arg8[%parallel_loop3A_302] {strides = array<i32>} : memref<16384xf32, #tpu.memory_space<vmem>>, vector<16xf32>,
        %parallel_loop3A_304 = arith.subf %parallel_loop3A_303, %gather3A_90 : vector<16xf32>
        %parallel_loop3A_305 = arith.mulf %parallel_loop3A_298, %parallel_loop3A_298 : vector<16xf32>
        %parallel_loop3A_306 = arith.mulf %parallel_loop3A_301, %parallel_loop3A_301 : vector<16xf32>
        %parallel_loop3A_307 = arith.addf %parallel_loop3A_305, %parallel_loop3A_306 : vector<16xf32>
        %parallel_loop3A_308 = arith.mulf %parallel_loop3A_304, %parallel_loop3A_304 : vector<16xf32>
        %parallel_loop3A_309 = arith.addf %parallel_loop3A_307, %parallel_loop3A_308 : vector<16xf32>
        %parallel_loop3A_310 = arith.index_cast %parallel_loop3A_290 : i32 to index
        %parallel_loop3A_311 = tpu.vector_load %arg9[%parallel_loop3A_310] {strides = array<i32>} : memref<8192xf32, #tpu.memory_space<vmem>>, vector<16xf32>,
        %parallel_loop3A_312 = arith.minimumf %parallel_loop3A_311, %parallel_loop3A_309 : vector<16xf32>
        %parallel_loop3A_313 = arith.index_cast %parallel_loop3A_290 : i32 to index
        %parallel_loop3A_314 = tpu.vector_load %arg9[%parallel_loop3A_313] {strides = array<i32>} : memref<8192xf32, #tpu.memory_space<vmem>>, vector<16xf32>,
        tpu.vector_store %arg9[%parallel_loop3A_313], %parallel_loop3A_312 {strides = array<i32>} : memref<8192xf32, #tpu.memory_space<vmem>>, vector<16xf32>,
        %parallel_loop3A_315 = arith.cmpf ogt, %parallel_loop3A_312, %parallel_loop3A_218 : vector<16xf32>
        %parallel_loop3A_316 = arith.maximumf %parallel_loop3A_312, %parallel_loop3A_218 : vector<16xf32>
        %parallel_loop3A_317 = arith.select %parallel_loop3A_315, %parallel_loop3A_224, %parallel_loop3A_222 : vector<16xi1>, vector<16xi32>
        %parallel_loop3A_318 = arith.constant 3 : i32
        %parallel_loop3A_319 = arith.addi %parallel_loop3A_215, %parallel_loop3A_318 : i32
        %parallel_loop3A_320 = arith.constant 16 : i32
        %parallel_loop3A_321 = arith.muli %parallel_loop3A_319, %parallel_loop3A_320 : i32
        %parallel_loop3A_322 = arith.constant 3 : i32
        %parallel_loop3A_323 = arith.addi %parallel_loop3A_215, %parallel_loop3A_322 : i32
        %parallel_loop3A_324 = arith.constant 16 : i32
        %parallel_loop3A_325 = arith.muli %parallel_loop3A_323, %parallel_loop3A_324 : i32
        %parallel_loop3A_326 = arith.addi %mul3A_33, %parallel_loop3A_325 : i32
        %parallel_loop3A_327 = arith.index_cast %parallel_loop3A_326 : i32 to index
        %parallel_loop3A_328 = tpu.vector_load %arg6[%parallel_loop3A_327] {strides = array<i32>} : memref<16384xf32, #tpu.memory_space<vmem>>, vector<16xf32>,
        %parallel_loop3A_329 = arith.subf %parallel_loop3A_328, %gather3A_88 : vector<16xf32>
        %parallel_loop3A_330 = arith.index_cast %parallel_loop3A_326 : i32 to index
        %parallel_loop3A_331 = tpu.vector_load %arg7[%parallel_loop3A_330] {strides = array<i32>} : memref<16384xf32, #tpu.memory_space<vmem>>, vector<16xf32>,
        %parallel_loop3A_332 = arith.subf %parallel_loop3A_331, %gather3A_89 : vector<16xf32>
        %parallel_loop3A_333 = arith.index_cast %parallel_loop3A_326 : i32 to index
        %parallel_loop3A_334 = tpu.vector_load %arg8[%parallel_loop3A_333] {strides = array<i32>} : memref<16384xf32, #tpu.memory_space<vmem>>, vector<16xf32>,
        %parallel_loop3A_335 = arith.subf %parallel_loop3A_334, %gather3A_90 : vector<16xf32>
        %parallel_loop3A_336 = arith.mulf %parallel_loop3A_329, %parallel_loop3A_329 : vector<16xf32>
        %parallel_loop3A_337 = arith.mulf %parallel_loop3A_332, %parallel_loop3A_332 : vector<16xf32>
        %parallel_loop3A_338 = arith.addf %parallel_loop3A_336, %parallel_loop3A_337 : vector<16xf32>
        %parallel_loop3A_339 = arith.mulf %parallel_loop3A_335, %parallel_loop3A_335 : vector<16xf32>
        %parallel_loop3A_340 = arith.addf %parallel_loop3A_338, %parallel_loop3A_339 : vector<16xf32>
        %parallel_loop3A_341 = arith.index_cast %parallel_loop3A_321 : i32 to index
        %parallel_loop3A_342 = tpu.vector_load %arg9[%parallel_loop3A_341] {strides = array<i32>} : memref<8192xf32, #tpu.memory_space<vmem>>, vector<16xf32>,
        %parallel_loop3A_343 = arith.minimumf %parallel_loop3A_342, %parallel_loop3A_340 : vector<16xf32>
        %parallel_loop3A_344 = arith.index_cast %parallel_loop3A_321 : i32 to index
        %parallel_loop3A_345 = tpu.vector_load %arg9[%parallel_loop3A_344] {strides = array<i32>} : memref<8192xf32, #tpu.memory_space<vmem>>, vector<16xf32>,
        tpu.vector_store %arg9[%parallel_loop3A_344], %parallel_loop3A_343 {strides = array<i32>} : memref<8192xf32, #tpu.memory_space<vmem>>, vector<16xf32>,
        %parallel_loop3A_346 = arith.cmpf ogt, %parallel_loop3A_343, %parallel_loop3A_219 : vector<16xf32>
        %parallel_loop3A_347 = arith.maximumf %parallel_loop3A_343, %parallel_loop3A_219 : vector<16xf32>
        %parallel_loop3A_348 = arith.select %parallel_loop3A_346, %parallel_loop3A_224, %parallel_loop3A_223 : vector<16xi1>, vector<16xi32>
        scf.yield %parallel_loop3A_254, %parallel_loop3A_285, %parallel_loop3A_316, %parallel_loop3A_347, %parallel_loop3A_255, %parallel_loop3A_286, %parallel_loop3A_317, %parallel_loop3A_348 : vector<16xf32>, vector<16xf32>, vector<16xf32>, vector<16xf32>, vector<16xi32>, vector<16xi32>, vector<16xi32>, vector<16xi32>
      } {sc.loop_unroll_factor = 2 : i64, sc.parallel_access}
      %mul3A_111 = arith.constant 16 : i32
      %mul3A_112 = vector.broadcast %mul3A_111 : i32 to vector<16xi32>
      %mul3A_113 = arith.muli %parallel_loop3A_110#4, %mul3A_112 : vector<16xi32>
      %add3A_114 = arith.addi %mul3A_113, %iota3A : vector<16xi32>
      %mul3A_115 = arith.constant 16 : i32
      %mul3A_116 = vector.broadcast %mul3A_115 : i32 to vector<16xi32>
      %mul3A_117 = arith.muli %parallel_loop3A_110#5, %mul3A_116 : vector<16xi32>
      %broadcast_in_dim3A_118 = arith.constant 16 : i32
      %broadcast_in_dim3A_119 = vector.broadcast %broadcast_in_dim3A_118 : i32 to vector<16xi32>
      %add3A_120 = arith.addi %mul3A_117, %broadcast_in_dim3A_119 : vector<16xi32>
      %add3A_121 = arith.addi %add3A_120, %iota3A : vector<16xi32>
      %gt3A = arith.cmpf ogt, %parallel_loop3A_110#1, %parallel_loop3A_110#0 : vector<16xf32>
      %eq3A_122 = arith.cmpf oeq, %parallel_loop3A_110#1, %parallel_loop3A_110#0 : vector<16xf32>
      %lt3A_123 = arith.cmpi slt, %add3A_121, %add3A_114 : vector<16xi32>
      %and3A_124 = arith.andi %eq3A_122, %lt3A_123 : vector<16xi1>
      %or3A = arith.ori %gt3A, %and3A_124 : vector<16xi1>
      %select_n3A_125 = arith.select %or3A, %parallel_loop3A_110#1, %parallel_loop3A_110#0 : vector<16xi1>, vector<16xf32>
      %select_n3A_126 = arith.select %or3A, %add3A_121, %add3A_114 : vector<16xi1>, vector<16xi32>
      %mul3A_127 = arith.constant 16 : i32
      %mul3A_128 = vector.broadcast %mul3A_127 : i32 to vector<16xi32>
      %mul3A_129 = arith.muli %parallel_loop3A_110#6, %mul3A_128 : vector<16xi32>
      %broadcast_in_dim3A_130 = arith.constant 32 : i32
      %broadcast_in_dim3A_131 = vector.broadcast %broadcast_in_dim3A_130 : i32 to vector<16xi32>
      %add3A_132 = arith.addi %mul3A_129, %broadcast_in_dim3A_131 : vector<16xi32>
      %add3A_133 = arith.addi %add3A_132, %iota3A : vector<16xi32>
      %gt3A_134 = arith.cmpf ogt, %parallel_loop3A_110#2, %select_n3A_125 : vector<16xf32>
      %eq3A_135 = arith.cmpf oeq, %parallel_loop3A_110#2, %select_n3A_125 : vector<16xf32>
      %lt3A_136 = arith.cmpi slt, %add3A_133, %select_n3A_126 : vector<16xi32>
      %and3A_137 = arith.andi %eq3A_135, %lt3A_136 : vector<16xi1>
      %or3A_138 = arith.ori %gt3A_134, %and3A_137 : vector<16xi1>
      %select_n3A_139 = arith.select %or3A_138, %parallel_loop3A_110#2, %select_n3A_125 : vector<16xi1>, vector<16xf32>
      %select_n3A_140 = arith.select %or3A_138, %add3A_133, %select_n3A_126 : vector<16xi1>, vector<16xi32>
      %mul3A_141 = arith.constant 16 : i32
      %mul3A_142 = vector.broadcast %mul3A_141 : i32 to vector<16xi32>
      %mul3A_143 = arith.muli %parallel_loop3A_110#7, %mul3A_142 : vector<16xi32>
      %broadcast_in_dim3A_144 = arith.constant 48 : i32
      %broadcast_in_dim3A_145 = vector.broadcast %broadcast_in_dim3A_144 : i32 to vector<16xi32>
      %add3A_146 = arith.addi %mul3A_143, %broadcast_in_dim3A_145 : vector<16xi32>
      %add3A_147 = arith.addi %add3A_146, %iota3A : vector<16xi32>
      %gt3A_148 = arith.cmpf ogt, %parallel_loop3A_110#3, %select_n3A_139 : vector<16xf32>
      %eq3A_149 = arith.cmpf oeq, %parallel_loop3A_110#3, %select_n3A_139 : vector<16xf32>
      %lt3A_150 = arith.cmpi slt, %add3A_147, %select_n3A_140 : vector<16xi32>
      %and3A_151 = arith.andi %eq3A_149, %lt3A_150 : vector<16xi1>
      %or3A_152 = arith.ori %gt3A_148, %and3A_151 : vector<16xi1>
      %select_n3A_153 = arith.select %or3A_152, %parallel_loop3A_110#3, %select_n3A_139 : vector<16xi1>, vector<16xf32>
      %select_n3A_154 = arith.select %or3A_152, %add3A_147, %select_n3A_140 : vector<16xi1>, vector<16xi32>
      %reduce_max3A = arith.constant true
      %reduce_max3A_155 = vector.broadcast %reduce_max3A : i1 to vector<16xi1>
      %reduce_max3A_156 = tpu.scan <max>, %select_n3A_153 masked %reduce_max3A_155 : vector<16xf32>, vector<16xi1> -> vector<16xf32>
      %reduce_max3A_157 = vector.extract %reduce_max3A_156[15] : f32 from vector<16xf32>
      %eq3A_158 = vector.broadcast %reduce_max3A_157 : f32 to vector<16xf32>
      %eq3A_159 = arith.cmpf oeq, %select_n3A_153, %eq3A_158 : vector<16xf32>
      %broadcast_in_dim3A_160 = arith.constant 1073741824 : i32
      %broadcast_in_dim3A_161 = vector.broadcast %broadcast_in_dim3A_160 : i32 to vector<16xi32>
      %select_n3A_162 = arith.select %eq3A_159, %select_n3A_154, %broadcast_in_dim3A_161 : vector<16xi1>, vector<16xi32>
      %reduce_min3A = arith.constant true
      %reduce_min3A_163 = vector.broadcast %reduce_min3A : i1 to vector<16xi1>
      %reduce_min3A_164 = arith.constant -2147483648 : i32
      %reduce_min3A_165 = vector.broadcast %reduce_min3A_164 : i32 to vector<16xi32>
      %reduce_min3A_166 = arith.xori %select_n3A_162, %reduce_min3A_165 : vector<16xi32>
      %reduce_min3A_167 = tpu.scan <min>, %reduce_min3A_166 masked %reduce_min3A_163 : vector<16xi32>, vector<16xi1> -> vector<16xi32>
      %reduce_min3A_168 = arith.xori %reduce_min3A_167, %reduce_min3A_165 : vector<16xi32>
      %reduce_min3A_169 = vector.extract %reduce_min3A_168[15] : i32 from vector<16xi32>
      %broadcast_in_dim3A_170 = vector.broadcast %reduce_min3A_169 : i32 to vector<16xi32>
      %add3A_171 = vector.broadcast %mul3A_33 : i32 to vector<16xi32>
      %add3A_172 = arith.addi %broadcast_in_dim3A_170, %add3A_171 : vector<16xi32>
      %broadcast_in_dim3A_173 = vector.broadcast %reduce_max3A_157 : f32 to vector<16xf32>
      %eq3A_174 = arith.constant 1 : i32
      %eq3A_175 = vector.broadcast %eq3A_174 : i32 to vector<16xi32>
      %eq3A_176 = arith.cmpi eq, %iota3A, %eq3A_175 : vector<16xi32>
      %bitcast3A = vector.bitcast %add3A_172 : vector<16xi32> to vector<16xf32>
      %select_n3A_177 = arith.select %eq3A_176, %broadcast_in_dim3A_173, %bitcast3A : vector<16xi1>, vector<16xf32>
      %jit3A_178 = arith.constant 2 : i32
      %eq3A_179 = arith.constant 0 : i32
      %eq3A_180 = arith.cmpi eq, %jit3A_178, %eq3A_179 : i32
      %jit3A_181 = arith.constant 1 : i32
      %select_n3A_182 = arith.select %eq3A_180, %jit3A_181, %jit3A_178 : i32
      %rem3A_183 = arith.remsi %scan3A_86, %select_n3A_182 : i32
      %ne3A_184 = arith.constant 0 : i32
      %ne3A_185 = arith.cmpi ne, %rem3A_183, %ne3A_184 : i32
      %lt3A_186 = arith.constant 0 : i32
      %lt3A_187 = arith.cmpi slt, %rem3A_183, %lt3A_186 : i32
      %lt3A_188 = arith.constant 0 : i32
      %lt3A_189 = arith.cmpi slt, %select_n3A_182, %lt3A_188 : i32
      %ne3A_190 = arith.xori %lt3A_187, %lt3A_189 : i1
      %and3A_191 = arith.andi %ne3A_190, %ne3A_185 : i1
      %add3A_192 = arith.addi %rem3A_183, %select_n3A_182 : i32
      %select_n3A_193 = arith.select %and3A_191, %add3A_192, %rem3A_183 : i32
      %add3A_194 = arith.constant 4 : i32
      %add3A_195 = arith.addi %select_n3A_193, %add3A_194 : i32
      %swap3A = arith.constant 0 : index
      %swap3A_196 = tpu.vector_load %arg12[%swap3A] {strides = array<i32>} : memref<16xf32, #tpu.memory_space<vmem>>, vector<16xf32>,
      tpu.vector_store %arg12[%swap3A], %select_n3A_177 {strides = array<i32>} : memref<16xf32, #tpu.memory_space<vmem>>, vector<16xf32>,
      "tpu.region"() ({
        %run_scoped3A = tpu.sem_alloc : memref<!tpu.dma_semaphore, #tpu.memory_space<semaphore_mem>>
        %dma_start3A = arith.constant 0 : i32
        %dma_start3A_215 = tpu.memref_slice %arg14[%add3A_195, %arg1, %dma_start3A] : memref<8x16x16xf32, #tpu.memory_space<vmem_shared>> -> memref<1x1x16xf32, #tpu.memory_space<vmem_shared>>
        %dma_start3A_216 = tpu.memref_squeeze %dma_start3A_215 : memref<1x1x16xf32, #tpu.memory_space<vmem_shared>> -> memref<16xf32, #tpu.memory_space<vmem_shared>>
        %dma_start3A_217 = arith.constant 0 : i32
        %dma_start3A_218 = tpu.memref_slice %arg14[%add3A_195, %arg1, %dma_start3A_217] : memref<8x16x16xf32, #tpu.memory_space<vmem_shared>> -> memref<1x1x16xf32, #tpu.memory_space<vmem_shared>>
        %dma_start3A_219 = tpu.memref_squeeze %dma_start3A_218 : memref<1x1x16xf32, #tpu.memory_space<vmem_shared>> -> memref<16xf32, #tpu.memory_space<vmem_shared>>
        tpu.enqueue_dma source(%arg12 : memref<16xf32, #tpu.memory_space<vmem>>) target(%dma_start3A_219 : memref<16xf32, #tpu.memory_space<vmem_shared>>) target_semaphore(%run_scoped3A : memref<!tpu.dma_semaphore, #tpu.memory_space<semaphore_mem>>)
        %dma_wait3A = arith.constant 0 : i32
        %dma_wait3A_220 = tpu.memref_slice %arg14[%add3A_195, %arg1, %dma_wait3A] : memref<8x16x16xf32, #tpu.memory_space<vmem_shared>> -> memref<1x1x16xf32, #tpu.memory_space<vmem_shared>>
        %dma_wait3A_221 = tpu.memref_squeeze %dma_wait3A_220 : memref<1x1x16xf32, #tpu.memory_space<vmem_shared>> -> memref<16xf32, #tpu.memory_space<vmem_shared>>
        %dma_wait3A_222 = arith.constant 0 : i32
        %dma_wait3A_223 = tpu.memref_slice %arg14[%add3A_195, %arg1, %dma_wait3A_222] : memref<8x16x16xf32, #tpu.memory_space<vmem_shared>> -> memref<1x1x16xf32, #tpu.memory_space<vmem_shared>>
        %dma_wait3A_224 = tpu.memref_squeeze %dma_wait3A_223 : memref<1x1x16xf32, #tpu.memory_space<vmem_shared>> -> memref<16xf32, #tpu.memory_space<vmem_shared>>
        tpu.wait_dma2 semaphore(%run_scoped3A : memref<!tpu.dma_semaphore, #tpu.memory_space<semaphore_mem>>) src(%arg12 : memref<16xf32, #tpu.memory_space<vmem>>) dst(%dma_wait3A_224 : memref<16xf32, #tpu.memory_space<vmem_shared>>)
        tpu.yield
      }) : () -> ()
      %barrier3A = arith.constant 0 : index
      tpu.barrier barrier_id(%barrier3A)
      "tpu.region"() ({
        %run_scoped3A = tpu.sem_alloc : memref<!tpu.dma_semaphore, #tpu.memory_space<semaphore_mem>>
        %dma_start3A = arith.constant 0 : i32
        %dma_start3A_215 = tpu.memref_slice %arg14[%add3A_195, %xor3A_31, %dma_start3A] : memref<8x16x16xf32, #tpu.memory_space<vmem_shared>> -> memref<1x1x16xf32, #tpu.memory_space<vmem_shared>>
        %dma_start3A_216 = tpu.memref_squeeze %dma_start3A_215 : memref<1x1x16xf32, #tpu.memory_space<vmem_shared>> -> memref<16xf32, #tpu.memory_space<vmem_shared>>
        %dma_start3A_217 = arith.constant 0 : i32
        %dma_start3A_218 = tpu.memref_slice %arg14[%add3A_195, %xor3A_31, %dma_start3A_217] : memref<8x16x16xf32, #tpu.memory_space<vmem_shared>> -> memref<1x1x16xf32, #tpu.memory_space<vmem_shared>>
        %dma_start3A_219 = tpu.memref_squeeze %dma_start3A_218 : memref<1x1x16xf32, #tpu.memory_space<vmem_shared>> -> memref<16xf32, #tpu.memory_space<vmem_shared>>
        tpu.enqueue_dma source(%dma_start3A_219 : memref<16xf32, #tpu.memory_space<vmem_shared>>) target(%arg13 : memref<16xf32, #tpu.memory_space<vmem>>) target_semaphore(%run_scoped3A : memref<!tpu.dma_semaphore, #tpu.memory_space<semaphore_mem>>)
        %dma_wait3A = arith.constant 0 : i32
        %dma_wait3A_220 = tpu.memref_slice %arg14[%add3A_195, %xor3A_31, %dma_wait3A] : memref<8x16x16xf32, #tpu.memory_space<vmem_shared>> -> memref<1x1x16xf32, #tpu.memory_space<vmem_shared>>
        %dma_wait3A_221 = tpu.memref_squeeze %dma_wait3A_220 : memref<1x1x16xf32, #tpu.memory_space<vmem_shared>> -> memref<16xf32, #tpu.memory_space<vmem_shared>>
        %dma_wait3A_222 = arith.constant 0 : i32
        %dma_wait3A_223 = tpu.memref_slice %arg14[%add3A_195, %xor3A_31, %dma_wait3A_222] : memref<8x16x16xf32, #tpu.memory_space<vmem_shared>> -> memref<1x1x16xf32, #tpu.memory_space<vmem_shared>>
        %dma_wait3A_224 = tpu.memref_squeeze %dma_wait3A_223 : memref<1x1x16xf32, #tpu.memory_space<vmem_shared>> -> memref<16xf32, #tpu.memory_space<vmem_shared>>
        tpu.wait_dma2 semaphore(%run_scoped3A : memref<!tpu.dma_semaphore, #tpu.memory_space<semaphore_mem>>) src(%dma_wait3A_224 : memref<16xf32, #tpu.memory_space<vmem_shared>>) dst(%arg13 : memref<16xf32, #tpu.memory_space<vmem>>)
        tpu.yield
      }) : () -> ()
      %gather3A_197 = tpu.vector_load_idx %arg13[%broadcast_in_dim3A_62] : memref<16xf32, #tpu.memory_space<vmem>>[vector<16xi32>], vector<16xf32>,
      %gather3A_198 = tpu.vector_load_idx %arg13[%broadcast_in_dim3A_64] : memref<16xf32, #tpu.memory_space<vmem>>[vector<16xi32>], vector<16xf32>,
      %bitcast3A_199 = vector.bitcast %gather3A_198 : vector<16xf32> to vector<16xi32>
      %gt3A_200 = arith.cmpf ogt, %broadcast_in_dim3A_173, %gather3A_197 : vector<16xf32>
      %eq3A_201 = arith.cmpf oeq, %broadcast_in_dim3A_173, %gather3A_197 : vector<16xf32>
      %lt3A_202 = arith.cmpi slt, %add3A_172, %bitcast3A_199 : vector<16xi32>
      %and3A_203 = arith.andi %eq3A_201, %lt3A_202 : vector<16xi1>
      %or3A_204 = arith.ori %gt3A_200, %and3A_203 : vector<16xi1>
      %select_n3A_205 = arith.select %or3A_204, %add3A_172, %bitcast3A_199 : vector<16xi1>, vector<16xi32>
      %sub3A_206 = vector.broadcast %mul3A_33 : i32 to vector<16xi32>
      %sub3A_207 = arith.subi %select_n3A_205, %sub3A_206 : vector<16xi32>
      %jit3A_208 = arith.constant 0 : i32
      %jit3A_209 = arith.constant 8191 : i32
      %max3A_210 = vector.broadcast %jit3A_208 : i32 to vector<16xi32>
      %max3A_211 = arith.maxsi %max3A_210, %sub3A_207 : vector<16xi32>
      %min3A_212 = vector.broadcast %jit3A_209 : i32 to vector<16xi32>
      %min3A_213 = arith.minsi %min3A_212, %max3A_211 : vector<16xi32>
      %and3A_214 = arith.andi %eq3A_57, %or3A_204 : vector<16xi1>
      tpu.vector_store_idx %arg10[%min3A_213], %broadcast_in_dim3A_58 masked %and3A_214 : memref<8192xf32, #tpu.memory_space<vmem>>[vector<16xi32>], vector<16xf32>, vector<16xi1>
      scf.yield %select_n3A_205 : vector<16xi32>
    }
    %scan3A_85 = arith.constant 2047 : i32
    "tpu.region"() ({
      %run_scoped3A = tpu.sem_alloc : memref<!tpu.dma_semaphore, #tpu.memory_space<semaphore_mem>>
      %dma_start3A = tpu.memref_slice %arg5[%add3A_36] : memref<262144xf32, #tpu.memory_space<hbm>> -> memref<8192xf32, #tpu.memory_space<hbm>>
      %dma_start3A_86 = tpu.memref_slice %arg5[%add3A_36] : memref<262144xf32, #tpu.memory_space<hbm>> -> memref<8192xf32, #tpu.memory_space<hbm>>
      tpu.enqueue_dma source(%arg10 : memref<8192xf32, #tpu.memory_space<vmem>>) target(%dma_start3A_86 : memref<8192xf32, #tpu.memory_space<hbm>>) target_semaphore(%run_scoped3A : memref<!tpu.dma_semaphore, #tpu.memory_space<semaphore_mem>>)
      %dma_wait3A = tpu.memref_slice %arg5[%add3A_36] : memref<262144xf32, #tpu.memory_space<hbm>> -> memref<8192xf32, #tpu.memory_space<hbm>>
      %dma_wait3A_87 = tpu.memref_slice %arg5[%add3A_36] : memref<262144xf32, #tpu.memory_space<hbm>> -> memref<8192xf32, #tpu.memory_space<hbm>>
      tpu.wait_dma2 semaphore(%run_scoped3A : memref<!tpu.dma_semaphore, #tpu.memory_space<semaphore_mem>>) src(%arg10 : memref<8192xf32, #tpu.memory_space<vmem>>) dst(%dma_wait3A_87 : memref<8192xf32, #tpu.memory_space<hbm>>)
      tpu.yield
    }) : () -> ()
    return
  }
}

</mosaic_0001>

<sc_bundles>
// kernel: kernel.3.cloned.1.call-start
scs
__scs_entry_jumppad:
0x0: {  	(pc) =	sbr.rel $0x88, $3  }
0x1: {  	(tag) =	ssettag $0x0;
	lr =	simm.s32 $0x1  }
0x2: {  	[smem:$0x3F9E] =	sst lr;
	_ =	strace $0xD0000000  }
0x3: {  	_ = 	snop  }
0x4: {  	_ = 	snop  }
0x5: {  	_ = 	snop  }
0x6: {  	_ = 	snop  }
0x7: {  	_ = 	snop  }
__scs_overlays_trampoline_lowered:
0x8: {  	[smem:$0x3FAD] =	sst s0  }
0x9: {  	[smem:$0x3FAE] =	sst s1  }
0xa: {  	[smem:$0x3FAF] =	sst s2  }
0xb: {  	[smem:$0x3FB0] =	sst s3  }
0xc: {  	[smem:$0x3FB1] =	sst s4  }
0xd: {  	[smem:$0x3FB2] =	sst s5  }
0xe: {  	[smem:$0x3FB3] =	sst s6  }
0xf: {  	[smem:$0x3FB4] =	sst s7  }
0x10: {  	[smem:$0x3FB5] =	sst s8  }
0x11: {  	[smem:$0x3FB6] =	sst s9;
	s0 =	simm.s32 @!p0 $0x0  }
0x12: {  	s1 =	sld [smem:$0x3F9C];
	s0 =	simm.s32 @p0 $0x1  }
0x13: {  	[smem:$0x3FB7] =	sst s0;
	s0 =	simm.s32 @!p1 $0x0  }
0x14: {  	s2 =	sld [smem:$0x3F9B];
	s0 =	simm.s32 @p1 $0x1  }
0x15: {  	[smem:$0x3FB8] =	sst s0;
	s0 =	simm.s32 @!p2 $0x0  }
0x16: {  	s3 =	sld [smem:$0x3FDB];
	s0 =	simm.s32 @p2 $0x1  }
0x17: {  	s4 =	simm.s32 $0x1BF5;
	[smem:$0x3FBA] =	sst s0  }
0x18: {  	s0 =	sld [smem:$0x3F9D];
	_ =	swait.ge [sflag:s4], $0x0  }
0x19: {  	s7 =	sld [smem:$0x3F9E]  }
0x1a: {  	s8 =	sadd.s32 $0xFFFFE003, lr  }
0x1b: {  	s9 =	sadd.s32 $0xFFFFFEF7, lr;
	s5 =	simm.s32 $0xFFFFFFFF;
	p2 =	slt.u32 s8, $0xFFFFF086  }
0x1c: {  	p1 =	slt.u32 s9, $0xF7A;
	s5 =	simm.s32 @!p2 $0x0  }
0x1d: {  	s5 =	simm.s32 @p1 $0x1;
	p0 =	seq.s32 s7, s2  }
0x1e: {  	s7 =	smul.u32 @!p0 $0xF7A, s2;
	p2 =	seq.s32 @!p0 s5, $0x0  }
0x1f: {  	s9 =	smul.u32 $0xF7A, s1;
	s8 =	simm.s32 @!p0 $0x1BF5;
	p2 =	por !p2, p0  }
0x20: {  	[sflag:s8] =	ssyncset.s32 @!p0 $0xFFFFF086;
	s6 =	sadd.s32 @!p0 s3, s7;
	s7 =	simm.s32 @!p0 $0x108  }
0x21: {  	s3 =	sadd.s32 s3, s9;
	s6 =	sadd.s32 @!p0 $0x88, s6;
	s7 =	simm.s32 @p2 $0x1082  }
0x22: {  	[simem:s7], [sflag:s8] =	dma.local @!p0 [hbm:s6], $0xF7A  }
0x23: {  	s9 =	sor.u32 $0xD0000000, s2;
	s6 =	simm.s32 $0x108;
	_ =	swait.ge @!p0 [sflag:s8], $0x0  }
0x24: {  	s3 =	sadd.s32 $0x88, s3;
	s6 =	simm.s32 @!p1 $0x1082;
	[sflag:s4] =	ssyncset.s32 $0xFFFFF086  }
0x25: {  	[simem:s6], [sflag:s4] =	dma.local [hbm:s3], $0xF7A  }
0x26: {  	[smem:$0x3F9E] =	sst s1;
	(tag) =	ssettag s2;
	_ =	strace s9  }
0x27: {  	s1 =	sld [smem:$0x3FAE]  }
0x28: {  	s2 =	sld [smem:$0x3FAF]  }
0x29: {  	s4 =	sld [smem:$0x3FB1]  }
0x2a: {  	p0 =	seq.s32 s5, $0x0;
	s5 =	sld [smem:$0x3FB2]  }
0x2b: {  	s6 =	sld [smem:$0x3FB3]  }
0x2c: {  	s7 =	sld [smem:$0x3FB4]  }
0x2d: {  	s3 =	simm.s32 $0x108;
	s8 =	sld [smem:$0x3FB5]  }
0x2e: {  	s3 =	simm.s32 @!p0 $0x1082;
	s9 =	sld [smem:$0x3FB6]  }
0x2f: {  	lr =	sadd.s32 s0, s3;
	s0 =	sld [smem:$0x3FAD]  }
0x30: {  	s3 =	sld [smem:$0x3FB0]  }
0x31: {  	[smem:$0x3FB9] =	sst s10  }
0x32: {  	s10 =	sld [smem:$0x3FB7];
	_ =	sdelay $0x3  }
0x33: {  	p0 =	seq.s32 s10, $0x1;
	s10 =	sld [smem:$0x3FB9];
	_ =	sdelay $0x3  }
0x34: {  	[smem:$0x3FB9] =	sst s10  }
0x35: {  	s10 =	sld [smem:$0x3FB8];
	_ =	sdelay $0x3  }
0x36: {  	p1 =	seq.s32 s10, $0x1;
	s10 =	sld [smem:$0x3FB9];
	_ =	sdelay $0x3  }
0x37: {  	[smem:$0x3FB9] =	sst s10  }
0x38: {  	s10 =	sld [smem:$0x3FBA]  }
0x39: {  	_ = 	snop;
	(pc) =	sbr.ind lr, $3  }
0x3a: {  	_ = 	snop  }
0x3b: {  	_ = 	snop  }
0x3c: {  	p2 =	seq.s32 s10, $0x1;
	s10 =	sld [smem:$0x3FB9]  }
0x3d: {  	_ =	shalt  }
0x3e: {  	_ =	shalt  }
0x3f: {  	_ =	shalt  }
0x40: {  	_ =	shalt  }
0x41: {  	_ =	shalt  }
0x42: {  	_ =	shalt  }
0x43: {  	_ =	shalt  }
0x44: {  	_ =	shalt  }
0x45: {  	_ =	shalt  }
0x46: {  	_ =	shalt  }
0x47: {  	_ =	shalt  }
0x48: {  	_ =	shalt  }
0x49: {  	_ =	shalt  }
0x4a: {  	_ =	shalt  }
0x4b: {  	_ =	shalt  }
0x4c: {  	_ =	shalt  }
0x4d: {  	_ =	shalt  }
0x4e: {  	_ =	shalt  }
0x4f: {  	_ =	shalt  }
0x50: {  	_ =	shalt  }
0x51: {  	_ =	shalt  }
0x52: {  	_ =	shalt  }
0x53: {  	_ =	shalt  }
0x54: {  	_ =	shalt  }
0x55: {  	_ =	shalt  }
0x56: {  	_ =	shalt  }
0x57: {  	_ =	shalt  }
0x58: {  	_ =	shalt  }
0x59: {  	_ =	shalt  }
0x5a: {  	_ =	shalt  }
0x5b: {  	_ =	shalt  }
0x5c: {  	_ =	shalt  }
0x5d: {  	_ =	shalt  }
0x5e: {  	_ =	shalt  }
0x5f: {  	_ =	shalt  }
0x60: {  	_ =	shalt  }
0x61: {  	_ =	shalt  }
0x62: {  	_ =	shalt  }
0x63: {  	_ =	shalt  }
0x64: {  	_ =	shalt  }
0x65: {  	_ =	shalt  }
0x66: {  	_ =	shalt  }
0x67: {  	_ =	shalt  }
0x68: {  	_ =	shalt  }
0x69: {  	_ =	shalt  }
0x6a: {  	_ =	shalt  }
0x6b: {  	_ =	shalt  }
0x6c: {  	_ =	shalt  }
0x6d: {  	_ =	shalt  }
0x6e: {  	_ =	shalt  }
0x6f: {  	_ =	shalt  }
0x70: {  	_ =	shalt  }
0x71: {  	_ =	shalt  }
0x72: {  	_ =	shalt  }
0x73: {  	_ =	shalt  }
0x74: {  	_ =	shalt  }
0x75: {  	_ =	shalt  }
0x76: {  	_ =	shalt  }
0x77: {  	_ =	shalt  }
0x78: {  	_ =	shalt  }
0x79: {  	_ =	shalt  }
0x7a: {  	_ =	shalt  }
0x7b: {  	_ =	shalt  }
0x7c: {  	_ =	shalt  }
0x7d: {  	_ =	shalt  }
0x7e: {  	_ =	shalt  }
0x7f: {  	_ =	shalt  }
0x80: {  	_ =	shalt  }
0x81: {  	_ =	shalt  }
0x82: {  	_ =	shalt  }
0x83: {  	_ =	shalt  }
0x84: {  	_ =	shalt  }
0x85: {  	_ =	shalt  }
0x86: {  	_ =	shalt  }
0x87: {  	_ =	shalt  }
.Lfunc_end0:
.L_simem_size_0:
called_computation_lowered:
.L_overlay_start_0:
0x88: {  	s2 =	sld [smem:$0x3FD9]  }
0x89: {  	s3 =	sld [smem:$0x3FFE];
	_ =	sdelay $0x1  }
0x8a: {  	s1 =	srdreg.scid  }
0x8b: {  	s0 =	sand.u32 $0x1, s1  }
0x8c: {  	s17 =	sshll.u32 s0, $0xA;
	s2 =	sadd.s32 s3, s2  }
0x8d: {  	s2 =	sadd.s32 s2, s17  }
0x8e: {  	[smem:$0x3FC5] =	sst s2  }
0x8f: {  	_ = 	snop  }
0x90: {  	s2 =	sld [smem:$0x3FC8]  }
0x91: {  	s18 =	sld [smem:$0x3FC7]  }
0x92: {  	s4 =	sld [smem:$0x3FD0];
	(tm) =	ssettm $0x1  }
0x93: {  	s5 =	sld [smem:$0x3FFB];
	_ =	sdelay $0x3  }
0x94: {  	_ =	strace s5  }
0x95: {  	s5 =	sld [smem:$0x3FFC];
	_ =	sdelay $0x3  }
0x96: {  	_ =	strace s5  }
0x97: {  	s5 =	sld [smem:$0x3FFD];
	_ =	sdelay $0x3  }
0x98: {  	_ =	strace s5  }
0x99: {  	_ =	strace $0x8FFFFFFF  }
0x9a: {  	s19 =	sld [smem:$0x3FDB];
	_ =	sdelay $0x1  }
0x9b: {  	s6 =	simm.s32 $_scs_section_size  }
0x9c: {  	s7 =	simm.s32 $_size__tile_overlayer_lowered;
	s8 =	simm.s32 $_tile_overlayer_lowered  }
0x9d: {  	s22 =	simm.s32 $0x1BFF;
	s21 =	sshll.u32 s8, $0x1;
	s5 =	sadd.s32 s6, s19  }
0x9e: {  	s9 =	simm.s32 $0x0;
	s20 =	sshll.u32 s7, $0x1;
	s7 =	sadd.s32 s21, s5  }
0x9f: {  	[timem:s9], [sflag:s22] =	dma.local [hbm:s7], s20  }
0xa0: {  	_ =	swait.ge [sflag:s22], s20  }
0xa1: {  	s6 =	ssub.s32 $0x0, s20;
	[sflag:s22] =	ssyncset.done $0x0  }
0xa2: {  	[sflag:s22] =	ssyncadd.s32 s6;
	_ =	sdelay $0x1  }
0xa3: {  	s23 =	simm.s32 $0x1B8B  }
0xa4: {  	_ =	swait.ge [sflag:s23], $0x1  }
0xa5: {  	[sflag:s23] =	ssyncset.done $0x0  }
0xa6: {  	s25 =	simm.s32 $0x1B8E;
	s24 =	sld [smem:$0x3FFE];
	[sflag:s23] =	ssyncadd.s32 $0xFFFFFFFF  }
0xa7: {  	s26 =	simm.s32 $execute0_lowered;
	[smem:$0x3FD2] =	sst s25  }
0xa8: {  	s7 =	sshll.u32 s26, $0x1;
	_ =	strace $0x80000046;
	[dreg:$0x1] =	wrdreg $0xFFFFFFFF  }
0xa9: {  	s28 =	simm.s32 $_size_execute0_lowered;
	s5 =	sadd.s32 s5, s7;
	[dreg:$0x0] =	wrdreg $0x0  }
0xaa: {  	s7 =	sshll.u32 s28, $0x1;
	[dreg:$0x2] =	wrdreg s5  }
0xab: {  	[dreg:$0x3] =	wrdreg s7  }
0xac: {  	[dreg:$0x4] =	wrdreg $0xC0  }
0xad: {  	_ =	task [dreg:s9], $0x5FFFF  }
0xae: {  	[dreg:$0x1] =	wrdreg $0xFFFFFFFF  }
0xaf: {  	[dreg:$0x0] =	wrdreg $0x60  }
0xb0: {  	[dreg:$0x2] =	wrdreg s24  }
0xb1: {  	[dreg:$0x3] =	wrdreg s2  }
0xb2: {  	[dreg:$0x4] =	wrdreg s18  }
0xb3: {  	[dreg:$0x5] =	wrdreg s4  }
0xb4: {  	[dreg:$0x6] =	wrdreg $0x101800  }
0xb5: {  	[dreg:$0x7] =	wrdreg $0x9  }
0xb6: {  	_ =	task.clear_ibuf [dreg:s9], $0x8FFFF;
	_ =	strace $0x90000046  }
0xb7: {  	s29 =	simm.s32 $0x9;
	_ =	strace $0x80000048  }
0xb8: {  	_ =	swait.ge [sflag:s29], $0x1  }
0xb9: {  	[sflag:s29] =	ssyncadd.s32 $0xFFFFFFFF  }
0xba: {  	_ =	strace $0x90000048  }
0xbb: {  	_ =	sfence  }
0xbc: {  	s30 =	sld [smem:$0x0];
	_ =	sdelay $0x2  }
0xbd: {  	s31 =	sshll.u32 s1, $0xD;
	s1 =	sshrl.u32 s1, $0x2  }
0xbe: {  	s3 =	sand.u32 $0x4000, s31;
	s1 =	sadd.s32 s1, s30  }
0xbf: {  	s0 =	sor.u32 s3, s0;
	s1 =	sshll.u32 s1, $0x11  }
0xc0: {  	s0 =	sor.u32 s1, s0  }
0xc1: {  	s0 =	sadd.s32 $0x8F2B, s0  }
0xc2: {  	[sflag:s0] =	ssyncadd.remote.s32 $0x1  }
0xc3: {  	_ =	sfence.sel $0xFFFF  }
0xc4: {  	[dreg:$0x0] =	wrdreg $0xFFFFFFFF;
	(pc) =	sbr.abs _section_cstart, $3  }
0xc5: {  	[dreg:$0x1] =	wrdreg $0xFFFFFFFF  }
0xc6: {  	_ =	task.clear_ibuf [dreg:s9], $0x2FFFF;
	_ =	strace $0x9FFFFFFF  }
0xc7: {  	(tm) =	ssettm $0x7FFFFFFF  }
tec
execute0_lowered:
.L_overlay_start_1:
0x0: {  	(tag) =	ssettag $0x1  }
0x1: {  	s0 =	rddreg [dreg:$0x0]  }
0x2: {  	s1 =	rddreg [dreg:$0x1]  }
0x3: {  	s2 =	rddreg [dreg:$0x3];
	s3 =	srdreg.scid  }
0x4: {  	s11 =	simm.s32 $0x0;
	s9 =	stileid.u32;
	s16 =	simm.s32 $0x1  }
0x5: {  	s3 =	sand.u32 $0x1, s3;
	[smem:$0x7FF] =	sst s11;
	s5 =	sshrl.u32 s9, $0x1  }
0x6: {  	s0 =	sadd.s32 $0x400, s0;
	s23 =	sshll.u32 s9, $0xD;
	s26 =	sshll.u32 s9, $0x7  }
0x7: {  	s28 =	sshll.u32 s9, $0x9;
	s29 =	sand.u32 $0x1, s9;
	s4 =	sshll.u32 s3, $0x3  }
0x8: {  	_ =	strace $0x80000047;
	s3 =	ssub.s32 $0x2, s3;
	s31 =	sshll.u32 s29, $0xD  }
0x9: {  	s21 =	sshrl.u32 s28, $0x2;
	s4 =	sor.u32 s5, s4;
	s22 =	sshrl.u32 s3, $0x1  }
0xa: {  	s5 =	sand.u32 $0x2000, s23;
	s13 =	sor.u32 $0x40, s31;
	s14 =	sor.u32 $0x4040, s31  }
0xb: {  	s15 =	sor.u32 $0x8040, s31;
	s23 =	simm.s32 $0x10100;
	s6 =	smul.u32 $0xC000, s4  }
0xc: {  	s3 =	ssub.s32 s3, s22;
	s7 =	smul.u32 $0x1800, s4;
	s8 =	sshll.u32 s4, $0xE  }
0xd: {  	s8 =	sor.u32 s5, s8;
	s30 =	smax.u32 s3, $0x1;
	s6 =	sshrl.u32 s6, $0x3  }
0xe: {  	s7 =	sadd.s32 s0, s7;
	s24 =	sshrl.u32 s8, $0x3;
	[dreg:$0xc] =	wrdreg s30  }
0xf: {  	[dreg:$0x6] =	wrdreg s7;
	s0 =	sadd.s32 s0, s6;
	s1 =	sadd.s32 s1, s24  }
0x10: {  	v3 =	vimm.f32 $1.000000000e+10;
	s25 =	sadd.s32 $0x2000, s5;
	s6 =	sadd.s32 $0x800, s0;
	[dreg:$0x9] =	wrdreg s1  }
0x11: {  	vm0 =	vmmov $0x1;
	v4 =	vimm.f32 $1.000000000e+00;
	v5 =	vlaneseq.u32;
	s10 =	smov.u32 s5;
	s0 =	sadd.s32 $0x1000, s0;
	[dreg:$0x7] =	wrdreg s6  }
0x12: {  	vm1 =	vcmask $0x704;
	v9 =	vimm.s32 $0x1;
	v10 =	vimm.s32 $0x2;
	s3 =	simm.s32 $0x10000;
	[dreg:$0x8] =	wrdreg s0;
	s6 =	sxor.u32 $0x80, s26  }
0x13: {  	v6 =	vor.u32 $0x10, v5;
	v7 =	vor.u32 $0x20, v5;
	v2 =	vmov s25;
	s25 =	simm.s32 $0x0;
	s0 =	sadd.s32 s2, s24;
	[dreg:$0xa] =	wrdreg s6  }
0x14: {  	v8 =	vor.u32 $0x30, v5;
	v0 =	vmov s4;
	v1 =	vmov s5;
	s1 =	simm.s32 $0x0;
	s2 =	simm.s32 $0xE000;
	[dreg:$0xb] =	wrdreg s0  }
.LBB2_1:
0x15: {  	[dreg:$0xd] =	wrdreg s1  }
0x16: {  	s0 =	rddreg [dreg:$0x6]  }
0x17: {  	[tilespmem:s11], [sflag:$0x1] =	stream.linear.gather [hbm4b:s0+s11], $0x4000, $0x38;
	[tilespmem:$0x10200] =	vst v63  }
0x18: {  	_ =	swait.ge [sflag:s16], $0x4000  }
0x19: {  	[sflag:s16] =	ssyncset.done $0x0  }
0x1a: {  	s26 =	simm.s32 $0x4000;
	s24 =	rddreg [dreg:$0x7];
	[sflag:s16] =	ssyncadd.s32 $0xFFFFC000  }
0x1b: {  	[tilespmem:s26], [sflag:$0x1] =	stream.linear.gather [hbm4b:s24+s11], $0x4000, $0x38;
	[tilespmem:$0x10200] =	vst v63  }
0x1c: {  	_ =	swait.ge [sflag:s16], $0x4000  }
0x1d: {  	[sflag:s16] =	ssyncset.done $0x0  }
0x1e: {  	s29 =	simm.s32 $0x8000;
	s28 =	rddreg [dreg:$0x8];
	[sflag:s16] =	ssyncadd.s32 $0xFFFFC000  }
0x1f: {  	[tilespmem:s29], [sflag:$0x1] =	stream.linear.gather [hbm4b:s28+s11], $0x4000, $0x38;
	[tilespmem:$0x10200] =	vst v63  }
0x20: {  	_ =	swait.ge [sflag:s16], $0x4000  }
0x21: {  	[sflag:s16] =	ssyncset.done $0x0  }
0x22: {  	s30 =	rddreg [dreg:$0x9];
	[sflag:s16] =	ssyncadd.s32 $0xFFFFC000  }
0x23: {  	[tilespmem:s2], [sflag:$0x1] =	stream.linear.gather [hbm4b:s30+s11], $0x2000, $0x38;
	[tilespmem:$0x10200] =	vst v63  }
0x24: {  	_ =	swait.ge [sflag:s16], $0x2000  }
0x25: {  	[sflag:s16] =	ssyncset.done $0x0  }
0x26: {  	[sflag:s16] =	ssyncadd.s32 $0xFFFFE000  }
0x27: {  	s31 =	rddreg [dreg:$0x2]  }
0x28: {  	[tilespmem:s3], [sflag:$0x1] =	stream.linear.gather [hbm4b:s31+s11], $0x80, $0x38;
	[tilespmem:$0x10200] =	vst v63  }
0x29: {  	_ =	swait.ge [sflag:s16], $0x80  }
0x2a: {  	[sflag:s16] =	ssyncset.done $0x0  }
0x2b: {  	s0 =	simm.s32 $0xC040;
	[sflag:s16] =	ssyncadd.s32 $0xFFFFFF80  }
0x2c: {  	[tilespmem:s0+$0xFFFFFFC0] =	vst v3  }
0x2d: {  	[tilespmem:s0+$0x30] =	vst v3  }
0x2e: {  	[tilespmem:s0+$0x20] =	vst v3  }
0x2f: {  	[tilespmem:s0+$0x10] =	vst v3  }
0x30: {  	[tilespmem:s0+$0x0] =	vst v3  }
0x31: {  	[tilespmem:s0+$0xFFFFFFF0] =	vst v3  }
0x32: {  	s1 =	simm.s32 $0x0;
	[tilespmem:s0+$0xFFFFFFE0] =	vst v3  }
.LBB2_2:
0x33: {  	s1 =	sadd.s32 $0x8, s1;
	[tilespmem:s0+$0xFFFFFFD0] =	vst v3;
	s0 =	sadd.s32 $0x80, s0  }
0x34: {  	[tilespmem:s0+$0xFFFFFFC0] =	vst v3;
	p0 =	slt.u32 s1, $0x1F8  }
0x35: {  	[tilespmem:s0+$0x30] =	vst v3  }
.Ltmp0:
0x36: {  	[tilespmem:s0+$0x20] =	vst v3;
	(pc) =	sbr.rel @p0 .LBB2_2-.Ltmp0, $4  }
0x37: {  	[tilespmem:s0+$0x10] =	vst v3  }
0x38: {  	[tilespmem:s0+$0x0] =	vst v3  }
0x39: {  	[tilespmem:s0+$0xFFFFFFF0] =	vst v3  }
0x3a: {  	[tilespmem:s0+$0xFFFFFFE0] =	vst v3  }
0x3b: {  	_ =	sdelay $0x2  }
0x3c: {  	[tilespmem:s0+$0xFFFFFFD0] =	vst v3  }
0x3d: {  	v13 =	vld.idx.msk [tilespmem:v0+s3+$0x0], $0xffff;
	_ =	sdelay $0x4  }
0x3e: {  	vm2 =	vge.s32 v13, v1;
	vm3 =	vlt.s32 v13, v2;
	v11 =	vsub.s32 v13, v1  }
0x3f: {  	vm2 =	vmand vm2, vm3;
	vm3 =	vgt.s32 v11, $0x0  }
0x40: {  	v11 =	vnsel vm3, $0x0, v11;
	vm2 =	vmand vm2, vm0  }
0x41: {  	v11 =	vmin.u32 v11, $0x1FFF;
	_ =	sdelay $0x4  }
0x42: {  	s26 =	simm.s32 $0x0;
	[tilespmem:v11+s2+$0x0] =	vst.idx.msk vm2, v4  }
.LBB2_4:
0x43: {  	_ =	sdelay $0x3  }
0x44: {  	v11 =	vld.idx.msk [tilespmem:v13+s25+$0x0], $0xffff  }
0x45: {  	v14 =	vld [tilespmem:s14+$0x0]  }
0x46: {  	v15 =	vld [tilespmem:s13+$0xFFFFFFC0]  }
0x47: {  	v16 =	vld [tilespmem:s14+$0xFFFFFFC0]  }
0x48: {  	s0 =	simm.s32 $0x4000;
	v17 =	vld [tilespmem:s13+$0x0]  }
0x49: {  	v12 =	vld.idx.msk [tilespmem:v13+s0+$0x0], $0xffff  }
0x4a: {  	s24 =	simm.s32 $0x8000;
	v18 =	vld [tilespmem:s15+$0xFFFFFFC0]  }
0x4b: {  	v13 =	vld.idx.msk [tilespmem:v13+s24+$0x0], $0xffff  }
0x4c: {  	v19 =	vld [tilespmem:s15+$0x0];
	_ =	sdelay $0x1  }
0x4d: {  	v15 =	vsub.f32 v15, v11;
	v16 =	vsub.f32 v16, v12  }
0x4e: {  	v17 =	vsub.f32 v17, v11;
	v14 =	vsub.f32 v14, v12  }
0x4f: {  	s28 =	simm.s32 $0xC040;
	v18 =	vsub.f32 v18, v13;
	v15 =	vmul.f32 v15, v15;
	v16 =	vmul.f32 v16, v16  }
0x50: {  	v20 =	vld [tilespmem:s28+$0xFFFFFFC0];
	v19 =	vsub.f32 v19, v13;
	v17 =	vmul.f32 v17, v17;
	v14 =	vmul.f32 v14, v14  }
0x51: {  	v18 =	vmul.f32 v18, v18;
	v15 =	vadd.f32 v16, v15;
	v16 =	vld [tilespmem:s28+$0x0]  }
0x52: {  	v14 =	vadd.f32 v14, v17;
	v17 =	vmul.f32 v19, v19  }
0x53: {  	v15 =	vadd.f32 v18, v15  }
0x54: {  	v14 =	vadd.f32 v17, v14  }
0x55: {  	v17 =	vmin.f32 v20, v15  }
0x56: {  	[tilespmem:s28+$0xFFFFFFC0] =	vst v17;
	v16 =	vmin.f32 v16, v14  }
0x57: {  	v14 =	vld [tilespmem:s13+$0xFFFFFFD0];
	[tilespmem:s28+$0x0] =	vst v16  }
0x58: {  	v15 =	vld [tilespmem:s13+$0x10]  }
0x59: {  	v18 =	vld [tilespmem:s14+$0x10]  }
0x5a: {  	v19 =	vld [tilespmem:s14+$0xFFFFFFD0]  }
0x5b: {  	v20 =	vld [tilespmem:s15+$0x10]  }
0x5c: {  	v21 =	vld [tilespmem:s15+$0xFFFFFFD0]  }
0x5d: {  	s31 =	sadd.s32 $0x80, s13  }
0x5e: {  	s2 =	sadd.s32 $0x80, s14;
	v23 =	vld [tilespmem:s31+$0xFFFFFFC0];
	v15 =	vsub.f32 v15, v11;
	v18 =	vsub.f32 v18, v12  }
0x5f: {  	s30 =	sadd.s32 $0x80, s15;
	v24 =	vld [tilespmem:s2+$0xFFFFFFC0];
	v14 =	vsub.f32 v14, v11;
	v19 =	vsub.f32 v19, v12  }
0x60: {  	v22 =	vld [tilespmem:s30+$0xFFFFFFC0];
	v20 =	vsub.f32 v20, v13;
	v15 =	vmul.f32 v15, v15;
	v18 =	vmul.f32 v18, v18  }
0x61: {  	v25 =	vld [tilespmem:s28+$0x10];
	v21 =	vsub.f32 v21, v13;
	v14 =	vmul.f32 v14, v14;
	v19 =	vmul.f32 v19, v19  }
0x62: {  	v26 =	vld [tilespmem:s2+$0x0];
	v15 =	vadd.f32 v18, v15;
	v18 =	vmul.f32 v20, v20  }
0x63: {  	v27 =	vld [tilespmem:s28+$0xFFFFFFD0];
	v21 =	vmul.f32 v21, v21;
	v14 =	vadd.f32 v19, v14;
	v19 =	vsub.f32 v23, v11  }
0x64: {  	v23 =	vsub.f32 v24, v12;
	v20 =	vld [tilespmem:s31+$0x0];
	v15 =	vadd.f32 v18, v15  }
0x65: {  	v14 =	vadd.f32 v21, v14  }
0x66: {  	s29 =	simm.s32 $0xC0C0;
	v19 =	vmul.f32 v19, v19;
	v23 =	vmul.f32 v23, v23;
	v18 =	vld [tilespmem:s30+$0x0];
	v21 =	vmin.f32 v25, v15  }
0x67: {  	v15 =	vsub.f32 v22, v13;
	v22 =	vld [tilespmem:s29+$0xFFFFFFC0];
	[tilespmem:s28+$0x10] =	vst v21  }
0x68: {  	v19 =	vadd.f32 v23, v19;
	v25 =	vsub.f32 v26, v12;
	v24 =	vld [tilespmem:s13+$0x20]  }
0x69: {  	v26 =	vmin.f32 v27, v14;
	v20 =	vsub.f32 v20, v11;
	v14 =	vmul.f32 v15, v15;
	v23 =	vld [tilespmem:s14+$0x20]  }
0x6a: {  	v28 =	vld [tilespmem:s29+$0x0];
	v25 =	vmul.f32 v25, v25;
	v15 =	vimm.f32 $-1.000000000e+00  }
0x6b: {  	s12 =	sadd.s32 $0x80, s2;
	v27 =	vld [tilespmem:s15+$0x20];
	v18 =	vsub.f32 v18, v13;
	v20 =	vmul.f32 v20, v20;
	v19 =	vadd.f32 v14, v19  }
0x6c: {  	v35 =	vld [tilespmem:s12+$0x0];
	[tilespmem:s28+$0xFFFFFFD0] =	vst v26;
	vm2 =	vgt.f32 v17, v15;
	v17 =	vmax.f32 v17, v15;
	v14 =	vimm.s32 $0x0  }
0x6d: {  	v29 =	vld [tilespmem:s14+$0xFFFFFFE0];
	v20 =	vadd.f32 v25, v20;
	v18 =	vmul.f32 v18, v18;
	v19 =	vmin.f32 v22, v19  }
0x6e: {  	v25 =	vsel vm2, s25, v14;
	v22 =	vld [tilespmem:s28+$0x20];
	v24 =	vsub.f32 v24, v11;
	v23 =	vsub.f32 v23, v12;
	[tilespmem:s29+$0xFFFFFFC0] =	vst v19  }
0x6f: {  	vm2 =	vgt.f32 v16, v17;
	v16 =	vmax.f32 v16, v17;
	v18 =	vadd.f32 v18, v20;
	v30 =	vld [tilespmem:s31+$0xFFFFFFD0]  }
0x70: {  	s8 =	simm.s32 $0x4;
	v27 =	vsub.f32 v27, v13;
	v31 =	vld [tilespmem:s2+$0xFFFFFFD0];
	v24 =	vmul.f32 v24, v24;
	v23 =	vmul.f32 v23, v23  }
0x71: {  	v17 =	vmax.f32 v26, v15;
	v25 =	vsel vm2, s8, v25;
	v20 =	vld [tilespmem:s13+$0xFFFFFFE0];
	v18 =	vmin.f32 v28, v18  }
0x72: {  	vm2 =	vgt.f32 v26, v15;
	v28 =	vld [tilespmem:s30+$0xFFFFFFD0];
	[tilespmem:s29+$0x0] =	vst v18;
	v23 =	vadd.f32 v23, v24;
	v24 =	vmul.f32 v27, v27  }
0x73: {  	v35 =	vsub.f32 v35, v12;
	v26 =	vsel vm2, s25, v14;
	vm2 =	vgt.f32 v21, v17;
	v32 =	vld [tilespmem:s31+$0x10]  }
0x74: {  	v29 =	vsub.f32 v29, v12;
	v17 =	vmax.f32 v21, v17;
	v27 =	vld [tilespmem:s2+$0x10];
	v23 =	vadd.f32 v24, v23  }
0x75: {  	v33 =	vld [tilespmem:s28+$0xFFFFFFE0];
	v26 =	vsel vm2, s8, v26;
	v21 =	vsub.f32 v30, v11;
	v24 =	vsub.f32 v31, v12  }
0x76: {  	vm2 =	vgt.f32 v19, v16;
	v16 =	vmax.f32 v19, v16;
	v30 =	vld [tilespmem:s30+$0x10];
	v23 =	vmin.f32 v22, v23  }
0x77: {  	s7 =	sadd.s32 $0x80, s31;
	v22 =	vsub.f32 v28, v13;
	v21 =	vmul.f32 v21, v21;
	v24 =	vmul.f32 v24, v24;
	v28 =	vld [tilespmem:s15+$0xFFFFFFE0]  }
0x78: {  	v46 =	vld [tilespmem:s7+$0xFFFFFFC0];
	v29 =	vmul.f32 v29, v29;
	v20 =	vsub.f32 v20, v11;
	v32 =	vsub.f32 v32, v11  }
0x79: {  	s1 =	simm.s32 $0x8;
	v31 =	vld [tilespmem:s29+$0xFFFFFFD0];
	[tilespmem:s28+$0x20] =	vst v23;
	v27 =	vsub.f32 v27, v12;
	v19 =	vmul.f32 v22, v22;
	v21 =	vadd.f32 v24, v21  }
0x7a: {  	v25 =	vsel vm2, s1, v25;
	v20 =	vmul.f32 v20, v20;
	v34 =	vld [tilespmem:s14+$0x30];
	v32 =	vmul.f32 v32, v32  }
0x7b: {  	v22 =	vld [tilespmem:s15+$0x30];
	v27 =	vmul.f32 v27, v27;
	v19 =	vadd.f32 v19, v21;
	v21 =	vsub.f32 v30, v13  }
0x7c: {  	s11 =	sadd.s32 $0x80, s30;
	vm2 =	vgt.f32 v18, v16;
	v36 =	vmax.f32 v18, v16;
	v30 =	vld [tilespmem:s29+$0x10];
	v28 =	vsub.f32 v28, v13  }
0x7d: {  	s6 =	simm.s32 $0xC;
	v20 =	vadd.f32 v29, v20;
	v24 =	vld [tilespmem:s11+$0xFFFFFFC0];
	v27 =	vadd.f32 v27, v32;
	v21 =	vmul.f32 v21, v21  }
0x7e: {  	v19 =	vmin.f32 v31, v19;
	v31 =	vsel vm2, s6, v25;
	v25 =	vld [tilespmem:s12+$0xFFFFFFC0];
	v18 =	vmul.f32 v28, v28  }
0x7f: {  	[tilespmem:s29+$0xFFFFFFD0] =	vst v19;
	vm2 =	vgt.f32 v19, v17;
	v17 =	vmax.f32 v19, v17;
	v19 =	vld [tilespmem:s7+$0x0];
	v16 =	vadd.f32 v21, v27  }
0x80: {  	v35 =	vmul.f32 v35, v35;
	v29 =	vld [tilespmem:s2+$0xFFFFFFE0]  }
0x81: {  	v48 =	vld [tilespmem:s13+$0x30];
	v22 =	vsub.f32 v22, v13;
	v18 =	vadd.f32 v18, v20;
	v16 =	vmin.f32 v30, v16  }
0x82: {  	s0 =	simm.s32 $0xC140;
	v24 =	vsub.f32 v24, v13;
	v27 =	vld [tilespmem:s11+$0x0];
	v20 =	vsel vm2, s1, v26;
	vm2 =	vgt.f32 v16, v17  }
0x83: {  	v30 =	vld [tilespmem:s0+$0xFFFFFFC0];
	[tilespmem:s29+$0x10] =	vst v16;
	v16 =	vmax.f32 v16, v17;
	v18 =	vmin.f32 v33, v18;
	v25 =	vsub.f32 v25, v12  }
0x84: {  	v17 =	vsub.f32 v46, v11;
	v26 =	vld [tilespmem:s30+$0x20];
	vm3 =	vgt.f32 v18, v15;
	v47 =	vmax.f32 v18, v15  }
0x85: {  	[tilespmem:s28+$0xFFFFFFE0] =	vst v18;
	v19 =	vsub.f32 v19, v11;
	v18 =	vmul.f32 v25, v25;
	v25 =	vsub.f32 v29, v12;
	v29 =	vld [tilespmem:s31+$0x20]  }
0x86: {  	v28 =	vsub.f32 v34, v12;
	v22 =	vmul.f32 v22, v22;
	v17 =	vmul.f32 v17, v17;
	v40 =	vld [tilespmem:s14+$0xFFFFFFF0]  }
0x87: {  	v24 =	vmul.f32 v24, v24;
	v20 =	vsel vm2, s6, v20;
	v50 =	vld [tilespmem:s13+$0xFFFFFFF0];
	v19 =	vmul.f32 v19, v19  }
0x88: {  	v53 =	vld [tilespmem:s28+$0xFFFFFFF0];
	v27 =	vsub.f32 v27, v13;
	v49 =	vsel vm3, s25, v14;
	v38 =	vadd.f32 v18, v17  }
0x89: {  	v39 =	vld [tilespmem:s2+$0x20];
	vm2 =	vgt.f32 v23, v47;
	v18 =	vmax.f32 v23, v47;
	v19 =	vadd.f32 v35, v19  }
0x8a: {  	v37 =	vld [tilespmem:s15+$0xFFFFFFF0];
	v17 =	vsel vm2, s8, v49;
	v23 =	vadd.f32 v24, v38;
	v24 =	vsub.f32 v48, v11  }
0x8b: {  	v51 =	vld [tilespmem:s0+$0x0];
	v52 =	vsub.f32 v26, v13;
	v26 =	vmul.f32 v27, v27;
	v29 =	vsub.f32 v29, v11  }
0x8c: {  	v54 =	vld [tilespmem:s29+$0x20];
	v32 =	vsub.f32 v50, v11;
	v57 =	vsub.f32 v40, v12;
	v23 =	vmin.f32 v30, v23  }
0x8d: {  	v55 =	vmul.f32 v24, v24;
	[tilespmem:s0+$0xFFFFFFC0] =	vst v23;
	vm2 =	vgt.f32 v23, v36;
	v24 =	vmax.f32 v23, v36;
	v23 =	vld [tilespmem:s31+$0xFFFFFFE0]  }
0x8e: {  	v28 =	vmul.f32 v28, v28;
	v30 =	vsub.f32 v39, v12;
	v19 =	vadd.f32 v26, v19;
	v56 =	vld [tilespmem:s7+$0xFFFFFFD0]  }
0x8f: {  	v27 =	vsub.f32 v37, v13;
	v32 =	vmul.f32 v32, v32;
	v59 =	vmul.f32 v57, v57;
	v58 =	vld [tilespmem:s12+$0xFFFFFFD0]  }
0x90: {  	v26 =	vmin.f32 v51, v19;
	v19 =	vmul.f32 v29, v29;
	v29 =	vmul.f32 v30, v30;
	v30 =	vld [tilespmem:s11+$0xFFFFFFD0]  }
0x91: {  	v21 =	vld [tilespmem:s28+$0x30];
	v25 =	vmul.f32 v25, v25;
	v61 =	vmul.f32 v27, v27;
	[tilespmem:s0+$0x0] =	vst v26;
	v33 =	vadd.f32 v59, v32  }
0x92: {  	s9 =	simm.s32 $0x10;
	v34 =	vmul.f32 v52, v52;
	v28 =	vadd.f32 v28, v55;
	v60 =	vld [tilespmem:s7+$0x10];
	v29 =	vadd.f32 v29, v19  }
0x93: {  	v31 =	vsel vm2, s9, v31;
	v41 =	vld [tilespmem:s12+$0x10];
	v63 =	vadd.f32 v61, v33;
	v23 =	vsub.f32 v23, v11  }
0x94: {  	s24 =	simm.s32 $0x14;
	v27 =	vld [tilespmem:s29+$0xFFFFFFE0];
	vm2 =	vgt.f32 v26, v24;
	v29 =	vadd.f32 v34, v29;
	v36 =	vsub.f32 v56, v11  }
0x95: {  	v19 =	vsel vm2, s24, v31;
	v31 =	vld [tilespmem:s11+$0x10];
	v62 =	vsub.f32 v58, v12;
	v42 =	vsub.f32 v30, v13  }
0x96: {  	v33 =	vld [tilespmem:s30+$0xFFFFFFE0];
	v34 =	vmin.f32 v53, v63;
	v32 =	vmul.f32 v23, v23;
	v23 =	vmin.f32 v54, v29  }
0x97: {  	s18 =	simm.s32 $0x18;
	s3 =	simm.s32 $0x0;
	s17 =	simm.s32 $0xC140;
	v30 =	vld [tilespmem:s0+$0xFFFFFFD0];
	vm2 =	vgt.f32 v34, v15;
	v36 =	vmul.f32 v36, v36;
	v38 =	vmul.f32 v62, v62;
	[tilespmem:s29+$0x20] =	vst v23  }
0x98: {  	s22 =	sadd.s32 $0x80, s7;
	s20 =	smov.u32 s12;
	s4 =	smov.u32 s11;
	[tilespmem:s28+$0xFFFFFFF0] =	vst v34;
	v37 =	vsub.f32 v60, v11;
	v35 =	vmul.f32 v42, v42;
	v39 =	vsub.f32 v41, v12;
	v29 =	vld [tilespmem:s2+$0x30]  }
.LBB2_5:
0x99: {  	s12 =	sadd.s32 $0x80, s12  }
0x9a: {  	v36 =	vadd.f32 v38, v36;
	s11 =	sadd.s32 $0x80, s11;
	v25 =	vadd.f32 v25, v32;
	v32 =	vld [tilespmem:s30+$0x30];
	v15 =	vmax.f32 v34, v15;
	s5 =	smov.u32 s18;
	s19 =	sadd.s32 $0x8, s18  }
0x9b: {  	p0 =	slt.u32 s18, $0x1F8;
	v37 =	vmul.f32 v37, v37;
	v22 =	vadd.f32 v22, v28;
	v34 =	vld [tilespmem:s11+$0xFFFFFFC0];
	v38 =	vmul.f32 v39, v39  }
0x9c: {  	v14 =	vsel vm2, s3, v14;
	s3 =	smov.u32 s1;
	s1 =	smov.u32 s9;
	v31 =	vsub.f32 v31, v13;
	s9 =	smov.u32 s5;
	v28 =	vld [tilespmem:s12+$0x0];
	v35 =	vadd.f32 v35, v36  }
0x9d: {  	s17 =	sadd.s32 $0x80, s17;
	v21 =	vmin.f32 v21, v22;
	v36 =	vadd.f32 v38, v37;
	v37 =	vld [tilespmem:s0+$0x10];
	v33 =	vsub.f32 v33, v13  }
0x9e: {  	v22 =	vmul.f32 v31, v31;
	vm2 =	vgt.f32 v21, v15;
	v38 =	vld [tilespmem:s22+$0xFFFFFFC0];
	v30 =	vmin.f32 v30, v35;
	[tilespmem:s28+$0x30] =	vst v21;
	s28 =	smov.u32 s29;
	s29 =	smov.u32 s0;
	s0 =	smov.u32 s17  }
0x9f: {  	v15 =	vmax.f32 v21, v15;
	v14 =	vsel vm2, s8, v14;
	s8 =	smov.u32 s6;
	s6 =	smov.u32 s24;
	v31 =	vld [tilespmem:s12+$0xFFFFFFC0];
	[tilespmem:s29+$0xFFFFFFD0] =	vst v30;
	v32 =	vsub.f32 v32, v13  }
0xa0: {  	v24 =	vmax.f32 v26, v24;
	v21 =	vadd.f32 v22, v36;
	v26 =	vmul.f32 v33, v33;
	v35 =	vld [tilespmem:s20+$0xFFFFFFE0]  }
0xa1: {  	v29 =	vsub.f32 v29, v12;
	vm2 =	vgt.f32 v30, v16;
	v33 =	vld [tilespmem:s11+$0x0];
	v22 =	vmul.f32 v32, v32  }
0xa2: {  	v16 =	vmax.f32 v30, v16;
	v25 =	vadd.f32 v26, v25;
	v30 =	vmin.f32 v37, v21;
	v21 =	vld [tilespmem:s28+$0x30]  }
0xa3: {  	v20 =	vsel vm2, s1, v20;
	v26 =	vld [tilespmem:s22+$0x0];
	[tilespmem:s29+$0x10] =	vst v30;
	vm2 =	vgt.f32 v30, v16;
	v16 =	vmax.f32 v30, v16  }
0xa4: {  	v32 =	vsub.f32 v34, v13;
	v30 =	vsub.f32 v38, v11;
	v25 =	vmin.f32 v27, v25;
	v34 =	vld [tilespmem:s4+$0x20]  }
0xa5: {  	v27 =	vsub.f32 v31, v12;
	vm3 =	vgt.f32 v25, v18;
	v18 =	vmax.f32 v25, v18;
	v31 =	vld [tilespmem:s17+$0xFFFFFFC0];
	[tilespmem:s28+$0xFFFFFFE0] =	vst v25  }
0xa6: {  	v25 =	vmul.f32 v30, v30;
	v30 =	vmul.f32 v32, v32;
	v32 =	vsub.f32 v33, v13;
	v33 =	vld [tilespmem:s31+$0x30]  }
0xa7: {  	v35 =	vsub.f32 v35, v12;
	v17 =	vsel vm3, s3, v17;
	v27 =	vmul.f32 v27, v27;
	v36 =	vld [tilespmem:s7+$0x20]  }
0xa8: {  	v28 =	vsub.f32 v28, v12;
	v20 =	vsel vm2, s6, v20;
	vm2 =	vgt.f32 v23, v18;
	v37 =	vld [tilespmem:s30+$0xFFFFFFF0];
	s30 =	smov.u32 s4;
	s4 =	smov.u32 s11  }
0xa9: {  	v27 =	vadd.f32 v27, v25;
	v26 =	vsub.f32 v26, v11;
	v25 =	vmul.f32 v35, v35;
	v35 =	vld [tilespmem:s20+$0x20]  }
0xaa: {  	v28 =	vmul.f32 v28, v28;
	v18 =	vmax.f32 v23, v18;
	v17 =	vsel vm2, s8, v17;
	v38 =	vld [tilespmem:s2+$0xFFFFFFF0];
	s2 =	smov.u32 s20;
	s20 =	smov.u32 s12  }
0xab: {  	v23 =	vadd.f32 v30, v27;
	v26 =	vmul.f32 v26, v26;
	v27 =	vld [tilespmem:s31+$0xFFFFFFF0];
	v30 =	vsub.f32 v33, v11;
	s31 =	smov.u32 s7;
	s7 =	smov.u32 s22  }
0xac: {  	v29 =	vmul.f32 v29, v29;
	v34 =	vsub.f32 v34, v13;
	v33 =	vld [tilespmem:s17+$0x0];
	v36 =	vsub.f32 v36, v11  }
0xad: {  	v26 =	vadd.f32 v28, v26;
	v28 =	vmul.f32 v32, v32;
	v32 =	vsub.f32 v37, v13;
	v39 =	vld [tilespmem:s28+$0xFFFFFFF0]  }
0xae: {  	v23 =	vmin.f32 v31, v23;
	v30 =	vmul.f32 v30, v30;
	v31 =	vsub.f32 v35, v12;
	v35 =	vld [tilespmem:s29+$0x20]  }
0xaf: {  	vm2 =	vgt.f32 v23, v24;
	v24 =	vmax.f32 v23, v24;
	[tilespmem:s17+$0xFFFFFFC0] =	vst v23;
	v23 =	vadd.f32 v28, v26;
	v37 =	vld [tilespmem:s31+$0xFFFFFFE0]  }
0xb0: {  	v19 =	vsel vm2, s9, v19;
	v28 =	vsub.f32 v38, v12;
	v40 =	vld [tilespmem:s22+$0xFFFFFFD0];
	v27 =	vsub.f32 v27, v11  }
0xb1: {  	v31 =	vmul.f32 v31, v31;
	v38 =	vld [tilespmem:s12+$0xFFFFFFD0];
	v26 =	vmin.f32 v33, v23;
	v23 =	vmul.f32 v36, v36  }
0xb2: {  	v36 =	vmul.f32 v28, v28;
	v28 =	vadd.f32 v29, v30;
	v33 =	vld [tilespmem:s11+$0xFFFFFFD0];
	[tilespmem:s17+$0x0] =	vst v26;
	v27 =	vmul.f32 v27, v27  }
0xb3: {  	v30 =	vmul.f32 v34, v34;
	vm2 =	vgt.f32 v26, v24;
	v29 =	vld [tilespmem:s22+$0x10];
	v23 =	vadd.f32 v31, v23  }
0xb4: {  	s24 =	sadd.s32 $0x4, s9;
	v41 =	vld [tilespmem:s12+$0x10];
	v34 =	vsub.f32 v37, v11;
	v36 =	vadd.f32 v36, v27;
	v37 =	vmul.f32 v32, v32  }
.Ltmp1:
0xb5: {  	v19 =	vsel vm2, s24, v19;
	v40 =	vsub.f32 v40, v11;
	v27 =	vld [tilespmem:s29+$0xFFFFFFE0];
	v23 =	vadd.f32 v30, v23;
	(pc) =	sbr.rel @p0 .LBB2_5-.Ltmp1, $4  }
0xb6: {  	v38 =	vsub.f32 v38, v12;
	v31 =	vld [tilespmem:s11+$0x10];
	v32 =	vmul.f32 v34, v34;
	v34 =	vadd.f32 v37, v36  }
0xb7: {  	v42 =	vsub.f32 v33, v13;
	v36 =	vmul.f32 v40, v40;
	v30 =	vld [tilespmem:s17+$0xFFFFFFD0];
	v23 =	vmin.f32 v35, v23  }
0xb8: {  	v38 =	vmul.f32 v38, v38;
	v37 =	vsub.f32 v29, v11;
	v33 =	vld [tilespmem:s30+$0xFFFFFFE0];
	[tilespmem:s29+$0x20] =	vst v23;
	v34 =	vmin.f32 v39, v34  }
0xb9: {  	s18 =	smov.u32 s19;
	s22 =	sadd.s32 $0x80, s22;
	v35 =	vmul.f32 v42, v42;
	v39 =	vsub.f32 v41, v12;
	v29 =	vld [tilespmem:s2+$0x30];
	[tilespmem:s28+$0xFFFFFFF0] =	vst v34;
	vm2 =	vgt.f32 v34, v15  }
0xba: {  	v36 =	vadd.f32 v38, v36  }
0xbb: {  	v37 =	vmul.f32 v37, v37;
	v39 =	vmul.f32 v39, v39;
	v31 =	vsub.f32 v31, v13  }
0xbc: {  	v48 =	vld [tilespmem:s0+$0x10];
	v35 =	vadd.f32 v35, v36  }
0xbd: {  	v37 =	vadd.f32 v39, v37;
	v31 =	vmul.f32 v31, v31  }
0xbe: {  	v49 =	vld [tilespmem:s30+$0x30];
	v33 =	vsub.f32 v33, v13;
	v30 =	vmin.f32 v30, v35  }
0xbf: {  	v60 =	vld [tilespmem:s31+$0x30];
	v31 =	vadd.f32 v31, v37;
	[tilespmem:s0+$0xFFFFFFD0] =	vst v30  }
0xc0: {  	v25 =	vadd.f32 v25, v32;
	v22 =	vadd.f32 v22, v28;
	v33 =	vmul.f32 v33, v33;
	v50 =	vld [tilespmem:s20+$0xFFFFFFE0]  }
0xc1: {  	v34 =	vmax.f32 v34, v15;
	v52 =	vld [tilespmem:s7+$0xFFFFFFE0];
	v31 =	vmin.f32 v48, v31  }
0xc2: {  	v14 =	vsel vm2, s3, v14;
	v15 =	vmin.f32 v21, v22;
	v55 =	vld [tilespmem:s4+$0xFFFFFFE0];
	v25 =	vadd.f32 v33, v25;
	[tilespmem:s0+$0x10] =	vst v31  }
0xc3: {  	v24 =	vmax.f32 v26, v24;
	vm2 =	vgt.f32 v15, v34;
	v34 =	vmax.f32 v15, v34;
	v51 =	vld [tilespmem:s7+$0x20]  }
0xc4: {  	v14 =	vsel vm2, s8, v14;
	v29 =	vsub.f32 v29, v12;
	v53 =	vld [tilespmem:s20+$0x20];
	v54 =	vmin.f32 v27, v25  }
0xc5: {  	v56 =	vsub.f32 v49, v13;
	vm2 =	vgt.f32 v30, v16;
	v42 =	vsub.f32 v60, v11;
	v57 =	vld [tilespmem:s4+$0x20];
	[tilespmem:s29+$0xFFFFFFE0] =	vst v54  }
0xc6: {  	v63 =	vmax.f32 v30, v16;
	v32 =	vsub.f32 v50, v12;
	v59 =	vld [tilespmem:s31+$0xFFFFFFF0];
	v28 =	vsub.f32 v52, v11  }
0xc7: {  	v20 =	vsel vm2, s9, v20;
	v29 =	vmul.f32 v29, v29;
	vm2 =	vgt.f32 v31, v63;
	v58 =	vld [tilespmem:s2+$0xFFFFFFF0]  }
0xc8: {  	v61 =	vld [tilespmem:s30+$0xFFFFFFF0];
	v22 =	vsub.f32 v55, v13;
	v32 =	vmul.f32 v32, v32;
	v28 =	vmul.f32 v28, v28  }
0xc9: {  	v62 =	vld [tilespmem:s0+$0xFFFFFFE0];
	v16 =	vmax.f32 v31, v63;
	v36 =	vsub.f32 v51, v11;
	v33 =	vsub.f32 v53, v12  }
0xca: {  	v22 =	vmul.f32 v22, v22;
	v27 =	vsub.f32 v57, v13;
	v28 =	vadd.f32 v32, v28  }
0xcb: {  	v36 =	vmul.f32 v36, v36;
	v33 =	vmul.f32 v33, v33;
	v26 =	vsub.f32 v59, v11  }
0xcc: {  	v40 =	vld [tilespmem:s0+$0x20];
	v41 =	vsub.f32 v58, v12;
	v27 =	vmul.f32 v27, v27;
	v22 =	vadd.f32 v22, v28  }
0xcd: {  	v43 =	vsub.f32 v61, v13;
	v28 =	vmul.f32 v42, v42;
	v33 =	vadd.f32 v33, v36  }
0xce: {  	v44 =	vld [tilespmem:s29+$0x30];
	v26 =	vmul.f32 v26, v26;
	v32 =	vmul.f32 v41, v41;
	v22 =	vmin.f32 v62, v22  }
0xcf: {  	v45 =	vld [tilespmem:s29+$0xFFFFFFF0];
	v25 =	vmul.f32 v56, v56;
	v20 =	vsel vm2, s24, v20;
	v27 =	vadd.f32 v27, v33;
	[tilespmem:s0+$0xFFFFFFE0] =	vst v22  }
0xd0: {  	v46 =	vmul.f32 v43, v43;
	v50 =	vadd.f32 v29, v28;
	v26 =	vadd.f32 v32, v26;
	v48 =	vld [tilespmem:s7+$0xFFFFFFF0]  }
0xd1: {  	vm3 =	vgt.f32 v54, v18;
	v49 =	vmax.f32 v54, v18;
	v47 =	vld [tilespmem:s20+$0xFFFFFFF0];
	v27 =	vmin.f32 v40, v27  }
0xd2: {  	v60 =	vshll.u32 v20, $0x4;
	v52 =	vld [tilespmem:s4+$0xFFFFFFF0];
	v21 =	vadd.f32 v25, v50;
	v26 =	vadd.f32 v46, v26;
	[tilespmem:s0+$0x20] =	vst v27  }
0xd3: {  	v17 =	vsel vm3, s1, v17;
	vm2 =	vgt.f32 v23, v49;
	v18 =	vmax.f32 v23, v49;
	v51 =	vld [tilespmem:s4+$0x30]  }
0xd4: {  	v17 =	vsel vm2, s6, v17;
	v21 =	vmin.f32 v44, v21;
	v53 =	vmin.f32 v45, v26;
	v54 =	vld [tilespmem:s20+$0x30]  }
0xd5: {  	v56 =	vld [tilespmem:s7+$0x30];
	vm2 =	vgt.f32 v53, v34;
	v55 =	vmax.f32 v53, v34;
	v31 =	vsub.f32 v48, v11  }
0xd6: {  	v30 =	vsub.f32 v47, v12;
	v14 =	vsel vm2, s1, v14;
	vm2 =	vgt.f32 v21, v55  }
0xd7: {  	vm3 =	veq.f32 v16, v24;
	v14 =	vsel vm2, s6, v14;
	v57 =	vmul.f32 v31, v31  }
0xd8: {  	v30 =	vmul.f32 v30, v30;
	v28 =	vsub.f32 v51, v13;
	v13 =	vsub.f32 v52, v13  }
0xd9: {  	v58 =	vld [tilespmem:s0+$0xFFFFFFF0];
	vm2 =	vgt.f32 v22, v18;
	v18 =	vmax.f32 v22, v18;
	v12 =	vsub.f32 v54, v12  }
0xda: {  	v11 =	vsub.f32 v56, v11;
	v29 =	vadd.f32 v30, v57;
	v13 =	vmul.f32 v13, v13  }
0xdb: {  	v25 =	vmax.f32 v21, v55;
	v17 =	vsel vm2, s9, v17;
	vm2 =	vgt.f32 v27, v18  }
0xdc: {  	v12 =	vmul.f32 v12, v12;
	v11 =	vmul.f32 v11, v11;
	v13 =	vadd.f32 v13, v29  }
0xdd: {  	v18 =	vmax.f32 v27, v18;
	v17 =	vsel vm2, s24, v17;
	v28 =	vmul.f32 v28, v28  }
0xde: {  	v59 =	vld [tilespmem:s0+$0x30];
	v11 =	vadd.f32 v12, v11;
	v12 =	vmin.f32 v58, v13;
	v13 =	vshll.u32 v19, $0x4  }
0xdf: {  	v17 =	vshll.u32 v17, $0x4;
	v19 =	vadd.s32 v6, v60;
	v13 =	vor.u32 v5, v13  }
0xe0: {  	v11 =	vadd.f32 v28, v11;
	vm2 =	vgt.f32 v12, v25;
	vm4 =	vlt.s32 v19, v13  }
0xe1: {  	v14 =	vsel vm2, s9, v14;
	vm2 =	vgt.f32 v16, v24;
	vm3 =	vmand vm3, vm4  }
0xe2: {  	v17 =	vadd.s32 v7, v17;
	v61 =	vmax.f32 v12, v25;
	vm2 =	vmor vm2, vm3  }
0xe3: {  	v11 =	vmin.f32 v59, v11;
	v16 =	vsel vm2, v16, v24;
	v13 =	vsel vm2, v19, v13  }
0xe4: {  	vm2 =	vgt.f32 v11, v61;
	vm3 =	veq.f32 v18, v16;
	vm13 =	vlt.s32 v17, v13  }
0xe5: {  	v14 =	vsel vm2, s24, v14;
	vm2 =	vgt.f32 v18, v16;
	vm3 =	vmand vm3, vm13  }
0xe6: {  	v62 =	vmax.f32 v11, v61;
	v14 =	vshll.u32 v14, $0x4;
	vm2 =	vmor vm2, vm3  }
0xe7: {  	v14 =	vadd.s32 v8, v14;
	v16 =	vsel vm2, v18, v16;
	v13 =	vsel vm2, v17, v13  }
0xe8: {  	vm2 =	veq.f32 v62, v16;
	vm3 =	vlt.s32 v14, v13  }
0xe9: {  	vm14 =	vgt.f32 v62, v16;
	vm2 =	vmand vm2, vm3  }
0xea: {  	vm2 =	vmor vm14, vm2  }
0xeb: {  	v16 =	vsel vm2, v62, v16  }
0xec: {  	(xrf0) =	vmax.scan.msk.f32 $0xffff, v16;
	_ =	sdelay $0x5  }
0xed: {  	v63, _, _ =	vpop (xrf0)  }
0xee: {  	v17 =	vbroadcast v63, $0xF  }
0xef: {  	v13 =	vsel vm2, v14, v13  }
0xf0: {  	v13 =	vxor.u32 $0x80000000, v13;
	vm2 =	veq.f32 v16, v17  }
0xf1: {  	v13 =	vnsel vm2, $0xC0000000, v13  }
0xf2: {  	(xrf0) =	vmin.scan.msk.u32 $0xffff, v13;
	_ =	sdelay $0x5  }
0xf3: {  	v13, _, _ =	vpop (xrf0)  }
0xf4: {  	(v2sf) =	vpush v13, $0xF;
	_ =	sdelay $0xe  }
0xf5: {  	[tilespmem:s28+$0x30] =	vst v15;
	s22 =	spop (v2sf)  }
0xf6: {  	[tilespmem:s29+$0x30] =	vst v21;
	s24 =	sshll.u32 s26, $0xB;
	s1 =	sadd.s32 s22, s10  }
0xf7: {  	s28 =	rddreg [dreg:$0x4];
	[tilespmem:s29+$0xFFFFFFF0] =	vst v53;
	s2 =	sand.u32 $0x800, s24;
	s1 =	sadd.s32 $0x80000000, s1  }
0xf8: {  	[tilespmem:s0+$0xFFFFFFF0] =	vst v12;
	s2 =	sadd.s32 s2, s28;
	v12 =	vmov s1  }
0xf9: {  	[tilespmem:s0+$0x30] =	vst v11;
	s29 =	sadd.s32 $0x2000, s2;
	v11 =	vsel vm1, v17, v12  }
0xfa: {  	s30 =	simm.s32 $0x10080;
	s2 =	sadd.s32 s21, s29;
	[tilespmem:$0x10080] =	vst v11  }
0xfb: {  	[spmem:s2] =	stream.linear.scatter [tilespmem:s30], [sflag:$0x1], $0x80, $0x38;
	[tilespmem:$0x10200] =	vst v63  }
0xfc: {  	_ =	swait.ge [sflag:s16], $0x80  }
0xfd: {  	[sflag:s16] =	ssyncset.done $0x0  }
0xfe: {  	[sflag:s16] =	ssyncadd.s32 $0xFFFFFF80  }
0xff: {  	[bflag:$0x0] =	sbarrier.arrive $0xFFFF  }
0x100: {  	s31 =	rddreg [dreg:$0xa]  }
0x101: {  	s0 =	sadd.s32 s31, s29  }
0x102: {  	[tilespmem:s23], [sflag:$0x1] =	stream.linear.gather [spmem:s0], $0x80, $0x38;
	[tilespmem:$0x10200] =	vst v63  }
0x103: {  	_ =	swait.ge [sflag:s16], $0x80  }
0x104: {  	[sflag:s16] =	ssyncset.done $0x0  }
0x105: {  	[sflag:s16] =	ssyncadd.s32 $0xFFFFFF80  }
0x106: {  	v11 =	vld.idx.msk [tilespmem:v9+s23+$0x0], $0xffff  }
0x107: {  	v13 =	vld.idx.msk [tilespmem:v10+s23+$0x0], $0xffff;
	_ =	sdelay $0x4  }
0x108: {  	vm2 =	veq.f32 v17, v11;
	vm3 =	vlt.s32 v12, v13  }
0x109: {  	vm15 =	vgt.f32 v17, v11;
	vm2 =	vmand vm2, vm3  }
0x10a: {  	vm2 =	vmor vm15, vm2  }
0x10b: {  	v13 =	vsel vm2, s1, v13  }
0x10c: {  	v11 =	vsub.s32 v13, v1  }
0x10d: {  	vm3 =	vgt.s32 v11, $0x0  }
0x10e: {  	s26 =	sadd.s32 $0x1, s26;
	vm2 =	vmand vm2, vm0;
	v11 =	vnsel vm3, $0x0, v11  }
0x10f: {  	p0 =	sne.s32 s26, $0x7FF;
	v11 =	vmin.u32 v11, $0x1FFF  }
.Ltmp2:
0x110: {  	_ = 	snop;
	(pc) =	sbr.rel @p0 .LBB2_4-.Ltmp2, $3  }
0x111: {  	_ =	sdelay $0x1  }
0x112: {  	s2 =	simm.s32 $0xE000  }
0x113: {  	[tilespmem:v11+s2+$0x0] =	vst.idx.msk vm2, v4  }
0x114: {  	s11 =	simm.s32 $0x0;
	s0 =	rddreg [dreg:$0xb]  }
0x115: {  	[hbm4b:s0+s11] =	stream.linear.scatter [tilespmem:s2], [sflag:$0x1], $0x2000, $0x38;
	[tilespmem:$0x10200] =	vst v63  }
0x116: {  	_ =	swait.ge [sflag:s16], $0x2000  }
0x117: {  	s1 =	rddreg [dreg:$0xd]  }
0x118: {  	s31 =	rddreg [dreg:$0xc];
	s1 =	sadd.s32 $0x1, s1  }
0x119: {  	p0 =	sne.s32 s1, s31  }
.Ltmp3:
0x11a: {  	_ = 	snop;
	(pc) =	sbr.rel @p0 .LBB2_1-.Ltmp3, $3  }
0x11b: {  	_ =	sdelay $0x1  }
0x11c: {  	[sflag:s16] =	ssyncset.done $0x0  }
0x11d: {  	s3 =	simm.s32 $0x10000;
	[sflag:s16] =	ssyncadd.s32 $0xFFFFE000  }
0x11e: {  	_ =	sfence.sel $0x180000  }
0x11f: {  	[bflag:$0x0] =	sbarrier.arrive $0xFFFF  }
0x120: {  	_ =	strace $0x90000047  }
0x121: {  	s0 =	stileid.u32;
	[bflag:$0x2] =	sbarrier.arrive $0xFFFF  }
0x122: {  	p0 =	sne.s32 s0, $0x0;
	s0 =	rddreg [dreg:$0x5]  }
0x123: {  	s0 =	sadd.s32 @!p0 $0x100000, s0  }
0x124: {  	[sflag:s0] =	ssyncadd.tile.s32 @!p0 $0x1;
	_ =	shalt  }
.Lfunc_end2:
_tile_overlayer_lowered:
.L_overlay_start_2:
0x125: {  	(tag) =	ssettag $0x2  }
0x126: {  	s0 =	rddreg [dreg:$0x0];
	s2 =	stileid.u32  }
0x127: {  	s1 =	rddreg [dreg:$0x1];
	p0 =	sne.s32 s2, $0x0  }
0x128: {  	s3 =	rddreg [dreg:$0x2];
	[bflag:$0x3] =	sbarrier.arrive $0xFFFF;
	s2 =	simm.s32 @!p0 $0x1C01  }
0x129: {  	[timem:s3], [sflag:s2] =	dma.local @!p0 [hbm:s0], s1  }
0x12a: {  	s0 =	simm.s32 @!p0 $0x1  }
0x12b: {  	_ =	swait.ge @!p0 [sflag:s0], s1  }
0x12c: {  	s1 =	ssub.s32 @!p0 $0x0, s1;
	[sflag:s0] =	ssyncset.done @!p0 $0x0  }
0x12d: {  	[sflag:s0] =	ssyncadd.s32 @!p0 s1  }
0x12e: {  	[bflag:$0x3] =	sbarrier.arrive $0xFFFF  }
0x12f: {  	_ =	shalt  }

</sc_bundles>
